<compile_context>
chip_gen: v7x
topology: tpu7x:2x2x1
jax: 0.10.2.dev20260603
libtpu: 0.0.44.dev20260713+nightly
codegen_flags: <defaults>
</compile_context>

<pallas_src>
import jax
import jax.numpy as jnp
from jax import lax
from jax.experimental import pallas as pl
from jax.experimental.pallas import tpu as pltpu
from jax.experimental.pallas import tpu_sc as plsc

NC = 2
NS = 16
LANES = 16
NW = NC * NS

B = 16384
L = 20
D = 64
CHUNK = 128
ROWS_W = B // NW
NCH_ARR = (ROWS_W * L) // CHUNK
NCH = 3 * NCH_ARR
NBUF = 4
NGRP = NCH // NBUF
REGION = 520
TRASH = 512


def _body(sidx, sw, vidx, vw, oidx, ow, table, out,
          ids_v, dst_v, acc_ref, bufs, gsems, ssems):
    obuf = bufs[0]
    c = lax.axis_index("c")
    s = lax.axis_index("s")
    w = s * NC + c
    sbase = s * REGION

    pltpu.sync_copy(sidx.at[w], ids_v.at[pl.ds(0 * NCH_ARR, NCH_ARR)])
    pltpu.sync_copy(vidx.at[w], ids_v.at[pl.ds(1 * NCH_ARR, NCH_ARR)])
    pltpu.sync_copy(oidx.at[w], ids_v.at[pl.ds(2 * NCH_ARR, NCH_ARR)])
    pltpu.sync_copy(sw.at[w], dst_v.at[pl.ds(0 * NCH_ARR, NCH_ARR)])
    pltpu.sync_copy(vw.at[w], dst_v.at[pl.ds(1 * NCH_ARR, NCH_ARR)])
    pltpu.sync_copy(ow.at[w], dst_v.at[pl.ds(2 * NCH_ARR, NCH_ARR)])

    for b in range(1, NBUF):
        pltpu.async_copy(table.at[ids_v.at[b]], bufs[b], gsems[b])

    zero = jnp.zeros((LANES,), jnp.float32)

    def zrow(r, carry):
        for q in range(D // LANES):
            obuf[r, pl.ds(q * LANES, LANES)] = zero
        return carry

    lax.fori_loop(0, CHUNK, zrow, 0)
    for t in range(4):
        pltpu.sync_copy(obuf, acc_ref.at[pl.ds(sbase + t * CHUNK, CHUNK)])
    pltpu.sync_copy(obuf.at[pl.ds(0, 8)],
                    acc_ref.at[pl.ds(sbase + 4 * CHUNK, 8)])
    pltpu.async_copy(table.at[ids_v.at[0]], bufs[0], gsems[0])

    iota = lax.iota(jnp.int32, LANES)
    trash_vec = jnp.full((LANES,), sbase + TRASH, jnp.int32)

    def compute_dst(i):
        for q in range(CHUNK // LANES):
            ent = iota + (lax.rem(i, NCH_ARR) * CHUNK + q * LANES)
            row = lax.div(ent, jnp.int32(L))
            wbits = dst_v[i, pl.ds(q * LANES, LANES)]
            wv = plsc.bitcast(wbits, jnp.float32)
            dst = jnp.where(wv != 0.0, sbase + row, trash_vec)
            dst_v[i, pl.ds(q * LANES, LANES)] = dst

    def grp_body(g, carry):
        for b in range(NBUF):
            i = g * NBUF + b
            compute_dst(i)
            pltpu.make_async_copy(table.at[ids_v.at[i]], bufs[b],
                                  gsems[b]).wait()
            pltpu.async_copy(bufs[b], acc_ref.at[dst_v.at[i]], ssems[b],
                             add=True)

        @pl.when(g < NGRP - 1)
        def _refill():
            for b in range(NBUF):
                i = (g + 1) * NBUF + b
                pltpu.make_async_copy(bufs[b], acc_ref.at[dst_v.at[i]],
                                      ssems[b]).wait()
                pltpu.async_copy(table.at[ids_v.at[i]], bufs[b], gsems[b])

        return carry

    lax.fori_loop(0, NGRP, grp_body, 0)

    for b in range(NBUF):
        i = NCH - NBUF + b
        pltpu.make_async_copy(bufs[b], acc_ref.at[dst_v.at[i]],
                              ssems[b]).wait()

    for t in range(4):
        pltpu.sync_copy(acc_ref.at[pl.ds(sbase + t * CHUNK, CHUNK)], obuf)
        pltpu.sync_copy(obuf, out.at[pl.ds(w * ROWS_W + t * CHUNK, CHUNK)])


@jax.jit
def _run(sidx, sw, vidx, vw, oidx, ow, table):
    mesh = plsc.VectorSubcoreMesh(core_axis_name="c", subcore_axis_name="s")

    def body(sidx, sw, vidx, vw, oidx, ow, table, out,
             ids_v, dst_v, acc,
             b0, b1, b2, b3, g0, g1, g2, g3, s0, s1, s2, s3):
        _body(sidx, sw, vidx, vw, oidx, ow, table, out,
              ids_v, dst_v, acc,
              (b0, b1, b2, b3), (g0, g1, g2, g3), (s0, s1, s2, s3))

    f = pl.kernel(
        body,
        out_type=jax.ShapeDtypeStruct((B, D), jnp.float32),
        mesh=mesh,
        scratch_types=[
            pltpu.VMEM((NCH, CHUNK), jnp.int32),
            pltpu.VMEM((NCH, CHUNK), jnp.int32),
            pltpu.VMEM_SHARED((NS * REGION, D), jnp.float32),
        ] + [pltpu.VMEM((CHUNK, D), jnp.float32) for _ in range(NBUF)]
          + [pltpu.SemaphoreType.DMA for _ in range(2 * NBUF)],
        compiler_params=pltpu.CompilerParams(use_tc_tiling_on_sc=False,
                                             needs_layout_passes=False),
    )
    return f(sidx, sw, vidx, vw, oidx, ow, table)


def kernel(subj_id, subj_w, verb_id, verb_w, obj_id, obj_w, table):
    shp = (NW, NCH_ARR, CHUNK)

    def wb(x):
        return lax.bitcast_convert_type(x, jnp.int32).reshape(shp)

    return _run(
        subj_id.astype(jnp.int32).reshape(shp), wb(subj_w),
        verb_id.astype(jnp.int32).reshape(shp), wb(verb_w),
        obj_id.astype(jnp.int32).reshape(shp), wb(obj_w),
        table)

# --- scband reference (transcript-rebuilt; emitter-appended) ---
"""Pipeline reference for scband-averaging-36472862277768 (READ-ONLY COPY).

The authoritative reference and input builder live on the scoring server;
editing this copy changes nothing except your own understanding.
"""

import jax, jax.numpy as jnp
import numpy as np

NUM_EMB = 1000000
EMB_DIM = 64
B = 16384
L = 20


def setup_inputs(seed: int = 0) -> dict:
    key = jax.random.key(seed)
    ks = jax.random.split(key, 7)
    subj_id = jax.random.randint(ks[0], (B, L), 0, NUM_EMB, dtype=jnp.int64) if jax.config.jax_enable_x64 else jax.random.randint(ks[0], (B, L), 0, NUM_EMB).astype(jnp.int32)
    verb_id = jax.random.randint(ks[1], (B, L), 0, NUM_EMB).astype(subj_id.dtype)
    obj_id = jax.random.randint(ks[2], (B, L), 0, NUM_EMB).astype(subj_id.dtype)
    subj_w = jax.random.normal(ks[3], (B, L), dtype=jnp.float32)
    verb_w = jax.random.normal(ks[4], (B, L), dtype=jnp.float32)
    obj_w = jax.random.normal(ks[5], (B, L), dtype=jnp.float32)
    table = jax.random.normal(ks[6], (NUM_EMB, EMB_DIM), dtype=jnp.float32) * 0.02
    return {"subj_id": subj_id, "subj_w": subj_w, "verb_id": verb_id, "verb_w": verb_w, "obj_id": obj_id, "obj_w": obj_w, "table": table}


def reference(subj_id, subj_w, verb_id, verb_w, obj_id, obj_w, table):
    subj_emb = jnp.take(table, subj_id, axis=0)  # [B, L, D]
    verb_emb = jnp.take(table, verb_id, axis=0)  # [B, L, D]
    obj_emb = jnp.take(table, obj_id, axis=0)    # [B, L, D]
    emb = jnp.concatenate([subj_emb, verb_emb, obj_emb], axis=1)  # [B, 3L, D]
    subj_mask = (subj_w != 0).astype(jnp.float32)
    verb_mask = (verb_w != 0).astype(jnp.float32)
    obj_mask = (obj_w != 0).astype(jnp.float32)
    mask = jnp.concatenate([subj_mask, verb_mask, obj_mask], axis=1)  # [B, 3L]
    mask = mask[:, None, :]  # [B, 1, 3L]
    output = jnp.matmul(mask, emb)  # [B, 1, D]
    output = jnp.squeeze(output, axis=1)  # [B, D]
    return output

if __name__ == "__main__":
    import jax
    _d = setup_inputs()
    print(jax.jit(kernel)(*tuple(_d.values())))

</pallas_src>

<mosaic_0001>
#map = affine_map<(d0, d1) -> (0, 0, 0)>
#map1 = affine_map<(d0, d1) -> (0, 0)>
module attributes {stable_mosaic.version = 14 : i64} {
  func.func @body(%arg0: i32, %arg1: i32, %arg2: memref<32x80x128xi32, #tpu.memory_space<hbm>>, %arg3: memref<32x80x128xi32, #tpu.memory_space<hbm>>, %arg4: memref<32x80x128xi32, #tpu.memory_space<hbm>>, %arg5: memref<32x80x128xi32, #tpu.memory_space<hbm>>, %arg6: memref<32x80x128xi32, #tpu.memory_space<hbm>>, %arg7: memref<32x80x128xi32, #tpu.memory_space<hbm>>, %arg8: memref<1000000x64xf32, #tpu.memory_space<hbm>>, %arg9: memref<16384x64xf32, #tpu.memory_space<hbm>>, %arg10: memref<240x128xi32, #tpu.memory_space<vmem>>, %arg11: memref<240x128xi32, #tpu.memory_space<vmem>>, %arg12: memref<8320x64xf32, #tpu.memory_space<vmem_shared>>, %arg13: memref<128x64xf32, #tpu.memory_space<vmem>>, %arg14: memref<128x64xf32, #tpu.memory_space<vmem>>, %arg15: memref<128x64xf32, #tpu.memory_space<vmem>>, %arg16: memref<128x64xf32, #tpu.memory_space<vmem>>, %arg17: memref<!tpu.dma_semaphore, #tpu.memory_space<semaphore_mem>>, %arg18: memref<!tpu.dma_semaphore, #tpu.memory_space<semaphore_mem>>, %arg19: memref<!tpu.dma_semaphore, #tpu.memory_space<semaphore_mem>>, %arg20: memref<!tpu.dma_semaphore, #tpu.memory_space<semaphore_mem>>, %arg21: memref<!tpu.dma_semaphore, #tpu.memory_space<semaphore_mem>>, %arg22: memref<!tpu.dma_semaphore, #tpu.memory_space<semaphore_mem>>, %arg23: memref<!tpu.dma_semaphore, #tpu.memory_space<semaphore_mem>>, %arg24: memref<!tpu.dma_semaphore, #tpu.memory_space<semaphore_mem>>) attributes {dimension_semantics = [#tpu.dimension_semantics<core_parallel>, #tpu.dimension_semantics<subcore_parallel>], iteration_bounds = array<i64: 2, 16>, scalar_prefetch = 0 : i64, scratch_operands = 15 : i64, tpu.core_type = #tpu.core_type<sc_vector_subcore>, window_params = [{transform_indices = #map}, {transform_indices = #map}, {transform_indices = #map}, {transform_indices = #map}, {transform_indices = #map}, {transform_indices = #map}, {transform_indices = #map1}, {transform_indices = #map1}]} {
    %mul3A = arith.constant 2 : i32
    %mul3A_0 = arith.muli %arg1, %mul3A : i32
    %add3A = arith.addi %mul3A_0, %arg0 : i32
    %mul3A_1 = arith.constant 520 : i32
    %mul3A_2 = arith.muli %arg1, %mul3A_1 : i32
    "tpu.region"() ({
      %run_scoped3A = tpu.sem_alloc : memref<!tpu.dma_semaphore, #tpu.memory_space<semaphore_mem>>
      %dma_start3A_106 = arith.constant 0 : i32
      %dma_start3A_107 = arith.constant 0 : i32
      %dma_start3A_108 = tpu.memref_slice %arg10[%dma_start3A_106, %dma_start3A_107] : memref<240x128xi32, #tpu.memory_space<vmem>> -> memref<80x128xi32, #tpu.memory_space<vmem>>
      %dma_start3A_109 = arith.constant 0 : i32
      %dma_start3A_110 = arith.constant 0 : i32
      %dma_start3A_111 = tpu.memref_slice %arg2[%add3A, %dma_start3A_109, %dma_start3A_110] : memref<32x80x128xi32, #tpu.memory_space<hbm>> -> memref<1x80x128xi32, #tpu.memory_space<hbm>>
      %dma_start3A_112 = tpu.memref_squeeze %dma_start3A_111 : memref<1x80x128xi32, #tpu.memory_space<hbm>> -> memref<80x128xi32, #tpu.memory_space<hbm>>
      %dma_start3A_113 = arith.constant 0 : i32
      %dma_start3A_114 = arith.constant 0 : i32
      %dma_start3A_115 = tpu.memref_slice %arg10[%dma_start3A_113, %dma_start3A_114] : memref<240x128xi32, #tpu.memory_space<vmem>> -> memref<80x128xi32, #tpu.memory_space<vmem>>
      %dma_start3A_116 = arith.constant 0 : i32
      %dma_start3A_117 = arith.constant 0 : i32
      %dma_start3A_118 = tpu.memref_slice %arg2[%add3A, %dma_start3A_116, %dma_start3A_117] : memref<32x80x128xi32, #tpu.memory_space<hbm>> -> memref<1x80x128xi32, #tpu.memory_space<hbm>>
      %dma_start3A_119 = tpu.memref_squeeze %dma_start3A_118 : memref<1x80x128xi32, #tpu.memory_space<hbm>> -> memref<80x128xi32, #tpu.memory_space<hbm>>
      tpu.enqueue_dma source(%dma_start3A_119 : memref<80x128xi32, #tpu.memory_space<hbm>>) target(%dma_start3A_115 : memref<80x128xi32, #tpu.memory_space<vmem>>) target_semaphore(%run_scoped3A : memref<!tpu.dma_semaphore, #tpu.memory_space<semaphore_mem>>)
      %dma_wait3A_120 = arith.constant 0 : i32
      %dma_wait3A_121 = arith.constant 0 : i32
      %dma_wait3A_122 = tpu.memref_slice %arg10[%dma_wait3A_120, %dma_wait3A_121] : memref<240x128xi32, #tpu.memory_space<vmem>> -> memref<80x128xi32, #tpu.memory_space<vmem>>
      %dma_wait3A_123 = arith.constant 0 : i32
      %dma_wait3A_124 = arith.constant 0 : i32
      %dma_wait3A_125 = tpu.memref_slice %arg2[%add3A, %dma_wait3A_123, %dma_wait3A_124] : memref<32x80x128xi32, #tpu.memory_space<hbm>> -> memref<1x80x128xi32, #tpu.memory_space<hbm>>
      %dma_wait3A_126 = tpu.memref_squeeze %dma_wait3A_125 : memref<1x80x128xi32, #tpu.memory_space<hbm>> -> memref<80x128xi32, #tpu.memory_space<hbm>>
      %dma_wait3A_127 = arith.constant 0 : i32
      %dma_wait3A_128 = arith.constant 0 : i32
      %dma_wait3A_129 = tpu.memref_slice %arg10[%dma_wait3A_127, %dma_wait3A_128] : memref<240x128xi32, #tpu.memory_space<vmem>> -> memref<80x128xi32, #tpu.memory_space<vmem>>
      %dma_wait3A_130 = arith.constant 0 : i32
      %dma_wait3A_131 = arith.constant 0 : i32
      %dma_wait3A_132 = tpu.memref_slice %arg2[%add3A, %dma_wait3A_130, %dma_wait3A_131] : memref<32x80x128xi32, #tpu.memory_space<hbm>> -> memref<1x80x128xi32, #tpu.memory_space<hbm>>
      %dma_wait3A_133 = tpu.memref_squeeze %dma_wait3A_132 : memref<1x80x128xi32, #tpu.memory_space<hbm>> -> memref<80x128xi32, #tpu.memory_space<hbm>>
      tpu.wait_dma2 semaphore(%run_scoped3A : memref<!tpu.dma_semaphore, #tpu.memory_space<semaphore_mem>>) src(%dma_wait3A_133 : memref<80x128xi32, #tpu.memory_space<hbm>>) dst(%dma_wait3A_129 : memref<80x128xi32, #tpu.memory_space<vmem>>)
      tpu.yield
    }) : () -> ()
    "tpu.region"() ({
      %run_scoped3A = tpu.sem_alloc : memref<!tpu.dma_semaphore, #tpu.memory_space<semaphore_mem>>
      %dma_start3A_106 = arith.constant 80 : i32
      %dma_start3A_107 = arith.constant 0 : i32
      %dma_start3A_108 = tpu.memref_slice %arg10[%dma_start3A_106, %dma_start3A_107] : memref<240x128xi32, #tpu.memory_space<vmem>> -> memref<80x128xi32, #tpu.memory_space<vmem>>
      %dma_start3A_109 = arith.constant 0 : i32
      %dma_start3A_110 = arith.constant 0 : i32
      %dma_start3A_111 = tpu.memref_slice %arg4[%add3A, %dma_start3A_109, %dma_start3A_110] : memref<32x80x128xi32, #tpu.memory_space<hbm>> -> memref<1x80x128xi32, #tpu.memory_space<hbm>>
      %dma_start3A_112 = tpu.memref_squeeze %dma_start3A_111 : memref<1x80x128xi32, #tpu.memory_space<hbm>> -> memref<80x128xi32, #tpu.memory_space<hbm>>
      %dma_start3A_113 = arith.constant 80 : i32
      %dma_start3A_114 = arith.constant 0 : i32
      %dma_start3A_115 = tpu.memref_slice %arg10[%dma_start3A_113, %dma_start3A_114] : memref<240x128xi32, #tpu.memory_space<vmem>> -> memref<80x128xi32, #tpu.memory_space<vmem>>
      %dma_start3A_116 = arith.constant 0 : i32
      %dma_start3A_117 = arith.constant 0 : i32
      %dma_start3A_118 = tpu.memref_slice %arg4[%add3A, %dma_start3A_116, %dma_start3A_117] : memref<32x80x128xi32, #tpu.memory_space<hbm>> -> memref<1x80x128xi32, #tpu.memory_space<hbm>>
      %dma_start3A_119 = tpu.memref_squeeze %dma_start3A_118 : memref<1x80x128xi32, #tpu.memory_space<hbm>> -> memref<80x128xi32, #tpu.memory_space<hbm>>
      tpu.enqueue_dma source(%dma_start3A_119 : memref<80x128xi32, #tpu.memory_space<hbm>>) target(%dma_start3A_115 : memref<80x128xi32, #tpu.memory_space<vmem>>) target_semaphore(%run_scoped3A : memref<!tpu.dma_semaphore, #tpu.memory_space<semaphore_mem>>)
      %dma_wait3A_120 = arith.constant 80 : i32
      %dma_wait3A_121 = arith.constant 0 : i32
      %dma_wait3A_122 = tpu.memref_slice %arg10[%dma_wait3A_120, %dma_wait3A_121] : memref<240x128xi32, #tpu.memory_space<vmem>> -> memref<80x128xi32, #tpu.memory_space<vmem>>
      %dma_wait3A_123 = arith.constant 0 : i32
      %dma_wait3A_124 = arith.constant 0 : i32
      %dma_wait3A_125 = tpu.memref_slice %arg4[%add3A, %dma_wait3A_123, %dma_wait3A_124] : memref<32x80x128xi32, #tpu.memory_space<hbm>> -> memref<1x80x128xi32, #tpu.memory_space<hbm>>
      %dma_wait3A_126 = tpu.memref_squeeze %dma_wait3A_125 : memref<1x80x128xi32, #tpu.memory_space<hbm>> -> memref<80x128xi32, #tpu.memory_space<hbm>>
      %dma_wait3A_127 = arith.constant 80 : i32
      %dma_wait3A_128 = arith.constant 0 : i32
      %dma_wait3A_129 = tpu.memref_slice %arg10[%dma_wait3A_127, %dma_wait3A_128] : memref<240x128xi32, #tpu.memory_space<vmem>> -> memref<80x128xi32, #tpu.memory_space<vmem>>
      %dma_wait3A_130 = arith.constant 0 : i32
      %dma_wait3A_131 = arith.constant 0 : i32
      %dma_wait3A_132 = tpu.memref_slice %arg4[%add3A, %dma_wait3A_130, %dma_wait3A_131] : memref<32x80x128xi32, #tpu.memory_space<hbm>> -> memref<1x80x128xi32, #tpu.memory_space<hbm>>
      %dma_wait3A_133 = tpu.memref_squeeze %dma_wait3A_132 : memref<1x80x128xi32, #tpu.memory_space<hbm>> -> memref<80x128xi32, #tpu.memory_space<hbm>>
      tpu.wait_dma2 semaphore(%run_scoped3A : memref<!tpu.dma_semaphore, #tpu.memory_space<semaphore_mem>>) src(%dma_wait3A_133 : memref<80x128xi32, #tpu.memory_space<hbm>>) dst(%dma_wait3A_129 : memref<80x128xi32, #tpu.memory_space<vmem>>)
      tpu.yield
    }) : () -> ()
    "tpu.region"() ({
      %run_scoped3A = tpu.sem_alloc : memref<!tpu.dma_semaphore, #tpu.memory_space<semaphore_mem>>
      %dma_start3A_106 = arith.constant 160 : i32
      %dma_start3A_107 = arith.constant 0 : i32
      %dma_start3A_108 = tpu.memref_slice %arg10[%dma_start3A_106, %dma_start3A_107] : memref<240x128xi32, #tpu.memory_space<vmem>> -> memref<80x128xi32, #tpu.memory_space<vmem>>
      %dma_start3A_109 = arith.constant 0 : i32
      %dma_start3A_110 = arith.constant 0 : i32
      %dma_start3A_111 = tpu.memref_slice %arg6[%add3A, %dma_start3A_109, %dma_start3A_110] : memref<32x80x128xi32, #tpu.memory_space<hbm>> -> memref<1x80x128xi32, #tpu.memory_space<hbm>>
      %dma_start3A_112 = tpu.memref_squeeze %dma_start3A_111 : memref<1x80x128xi32, #tpu.memory_space<hbm>> -> memref<80x128xi32, #tpu.memory_space<hbm>>
      %dma_start3A_113 = arith.constant 160 : i32
      %dma_start3A_114 = arith.constant 0 : i32
      %dma_start3A_115 = tpu.memref_slice %arg10[%dma_start3A_113, %dma_start3A_114] : memref<240x128xi32, #tpu.memory_space<vmem>> -> memref<80x128xi32, #tpu.memory_space<vmem>>
      %dma_start3A_116 = arith.constant 0 : i32
      %dma_start3A_117 = arith.constant 0 : i32
      %dma_start3A_118 = tpu.memref_slice %arg6[%add3A, %dma_start3A_116, %dma_start3A_117] : memref<32x80x128xi32, #tpu.memory_space<hbm>> -> memref<1x80x128xi32, #tpu.memory_space<hbm>>
      %dma_start3A_119 = tpu.memref_squeeze %dma_start3A_118 : memref<1x80x128xi32, #tpu.memory_space<hbm>> -> memref<80x128xi32, #tpu.memory_space<hbm>>
      tpu.enqueue_dma source(%dma_start3A_119 : memref<80x128xi32, #tpu.memory_space<hbm>>) target(%dma_start3A_115 : memref<80x128xi32, #tpu.memory_space<vmem>>) target_semaphore(%run_scoped3A : memref<!tpu.dma_semaphore, #tpu.memory_space<semaphore_mem>>)
      %dma_wait3A_120 = arith.constant 160 : i32
      %dma_wait3A_121 = arith.constant 0 : i32
      %dma_wait3A_122 = tpu.memref_slice %arg10[%dma_wait3A_120, %dma_wait3A_121] : memref<240x128xi32, #tpu.memory_space<vmem>> -> memref<80x128xi32, #tpu.memory_space<vmem>>
      %dma_wait3A_123 = arith.constant 0 : i32
      %dma_wait3A_124 = arith.constant 0 : i32
      %dma_wait3A_125 = tpu.memref_slice %arg6[%add3A, %dma_wait3A_123, %dma_wait3A_124] : memref<32x80x128xi32, #tpu.memory_space<hbm>> -> memref<1x80x128xi32, #tpu.memory_space<hbm>>
      %dma_wait3A_126 = tpu.memref_squeeze %dma_wait3A_125 : memref<1x80x128xi32, #tpu.memory_space<hbm>> -> memref<80x128xi32, #tpu.memory_space<hbm>>
      %dma_wait3A_127 = arith.constant 160 : i32
      %dma_wait3A_128 = arith.constant 0 : i32
      %dma_wait3A_129 = tpu.memref_slice %arg10[%dma_wait3A_127, %dma_wait3A_128] : memref<240x128xi32, #tpu.memory_space<vmem>> -> memref<80x128xi32, #tpu.memory_space<vmem>>
      %dma_wait3A_130 = arith.constant 0 : i32
      %dma_wait3A_131 = arith.constant 0 : i32
      %dma_wait3A_132 = tpu.memref_slice %arg6[%add3A, %dma_wait3A_130, %dma_wait3A_131] : memref<32x80x128xi32, #tpu.memory_space<hbm>> -> memref<1x80x128xi32, #tpu.memory_space<hbm>>
      %dma_wait3A_133 = tpu.memref_squeeze %dma_wait3A_132 : memref<1x80x128xi32, #tpu.memory_space<hbm>> -> memref<80x128xi32, #tpu.memory_space<hbm>>
      tpu.wait_dma2 semaphore(%run_scoped3A : memref<!tpu.dma_semaphore, #tpu.memory_space<semaphore_mem>>) src(%dma_wait3A_133 : memref<80x128xi32, #tpu.memory_space<hbm>>) dst(%dma_wait3A_129 : memref<80x128xi32, #tpu.memory_space<vmem>>)
      tpu.yield
    }) : () -> ()
    "tpu.region"() ({
      %run_scoped3A = tpu.sem_alloc : memref<!tpu.dma_semaphore, #tpu.memory_space<semaphore_mem>>
      %dma_start3A_106 = arith.constant 0 : i32
      %dma_start3A_107 = arith.constant 0 : i32
      %dma_start3A_108 = tpu.memref_slice %arg11[%dma_start3A_106, %dma_start3A_107] : memref<240x128xi32, #tpu.memory_space<vmem>> -> memref<80x128xi32, #tpu.memory_space<vmem>>
      %dma_start3A_109 = arith.constant 0 : i32
      %dma_start3A_110 = arith.constant 0 : i32
      %dma_start3A_111 = tpu.memref_slice %arg3[%add3A, %dma_start3A_109, %dma_start3A_110] : memref<32x80x128xi32, #tpu.memory_space<hbm>> -> memref<1x80x128xi32, #tpu.memory_space<hbm>>
      %dma_start3A_112 = tpu.memref_squeeze %dma_start3A_111 : memref<1x80x128xi32, #tpu.memory_space<hbm>> -> memref<80x128xi32, #tpu.memory_space<hbm>>
      %dma_start3A_113 = arith.constant 0 : i32
      %dma_start3A_114 = arith.constant 0 : i32
      %dma_start3A_115 = tpu.memref_slice %arg11[%dma_start3A_113, %dma_start3A_114] : memref<240x128xi32, #tpu.memory_space<vmem>> -> memref<80x128xi32, #tpu.memory_space<vmem>>
      %dma_start3A_116 = arith.constant 0 : i32
      %dma_start3A_117 = arith.constant 0 : i32
      %dma_start3A_118 = tpu.memref_slice %arg3[%add3A, %dma_start3A_116, %dma_start3A_117] : memref<32x80x128xi32, #tpu.memory_space<hbm>> -> memref<1x80x128xi32, #tpu.memory_space<hbm>>
      %dma_start3A_119 = tpu.memref_squeeze %dma_start3A_118 : memref<1x80x128xi32, #tpu.memory_space<hbm>> -> memref<80x128xi32, #tpu.memory_space<hbm>>
      tpu.enqueue_dma source(%dma_start3A_119 : memref<80x128xi32, #tpu.memory_space<hbm>>) target(%dma_start3A_115 : memref<80x128xi32, #tpu.memory_space<vmem>>) target_semaphore(%run_scoped3A : memref<!tpu.dma_semaphore, #tpu.memory_space<semaphore_mem>>)
      %dma_wait3A_120 = arith.constant 0 : i32
      %dma_wait3A_121 = arith.constant 0 : i32
      %dma_wait3A_122 = tpu.memref_slice %arg11[%dma_wait3A_120, %dma_wait3A_121] : memref<240x128xi32, #tpu.memory_space<vmem>> -> memref<80x128xi32, #tpu.memory_space<vmem>>
      %dma_wait3A_123 = arith.constant 0 : i32
      %dma_wait3A_124 = arith.constant 0 : i32
      %dma_wait3A_125 = tpu.memref_slice %arg3[%add3A, %dma_wait3A_123, %dma_wait3A_124] : memref<32x80x128xi32, #tpu.memory_space<hbm>> -> memref<1x80x128xi32, #tpu.memory_space<hbm>>
      %dma_wait3A_126 = tpu.memref_squeeze %dma_wait3A_125 : memref<1x80x128xi32, #tpu.memory_space<hbm>> -> memref<80x128xi32, #tpu.memory_space<hbm>>
      %dma_wait3A_127 = arith.constant 0 : i32
      %dma_wait3A_128 = arith.constant 0 : i32
      %dma_wait3A_129 = tpu.memref_slice %arg11[%dma_wait3A_127, %dma_wait3A_128] : memref<240x128xi32, #tpu.memory_space<vmem>> -> memref<80x128xi32, #tpu.memory_space<vmem>>
      %dma_wait3A_130 = arith.constant 0 : i32
      %dma_wait3A_131 = arith.constant 0 : i32
      %dma_wait3A_132 = tpu.memref_slice %arg3[%add3A, %dma_wait3A_130, %dma_wait3A_131] : memref<32x80x128xi32, #tpu.memory_space<hbm>> -> memref<1x80x128xi32, #tpu.memory_space<hbm>>
      %dma_wait3A_133 = tpu.memref_squeeze %dma_wait3A_132 : memref<1x80x128xi32, #tpu.memory_space<hbm>> -> memref<80x128xi32, #tpu.memory_space<hbm>>
      tpu.wait_dma2 semaphore(%run_scoped3A : memref<!tpu.dma_semaphore, #tpu.memory_space<semaphore_mem>>) src(%dma_wait3A_133 : memref<80x128xi32, #tpu.memory_space<hbm>>) dst(%dma_wait3A_129 : memref<80x128xi32, #tpu.memory_space<vmem>>)
      tpu.yield
    }) : () -> ()
    "tpu.region"() ({
      %run_scoped3A = tpu.sem_alloc : memref<!tpu.dma_semaphore, #tpu.memory_space<semaphore_mem>>
      %dma_start3A_106 = arith.constant 80 : i32
      %dma_start3A_107 = arith.constant 0 : i32
      %dma_start3A_108 = tpu.memref_slice %arg11[%dma_start3A_106, %dma_start3A_107] : memref<240x128xi32, #tpu.memory_space<vmem>> -> memref<80x128xi32, #tpu.memory_space<vmem>>
      %dma_start3A_109 = arith.constant 0 : i32
      %dma_start3A_110 = arith.constant 0 : i32
      %dma_start3A_111 = tpu.memref_slice %arg5[%add3A, %dma_start3A_109, %dma_start3A_110] : memref<32x80x128xi32, #tpu.memory_space<hbm>> -> memref<1x80x128xi32, #tpu.memory_space<hbm>>
      %dma_start3A_112 = tpu.memref_squeeze %dma_start3A_111 : memref<1x80x128xi32, #tpu.memory_space<hbm>> -> memref<80x128xi32, #tpu.memory_space<hbm>>
      %dma_start3A_113 = arith.constant 80 : i32
      %dma_start3A_114 = arith.constant 0 : i32
      %dma_start3A_115 = tpu.memref_slice %arg11[%dma_start3A_113, %dma_start3A_114] : memref<240x128xi32, #tpu.memory_space<vmem>> -> memref<80x128xi32, #tpu.memory_space<vmem>>
      %dma_start3A_116 = arith.constant 0 : i32
      %dma_start3A_117 = arith.constant 0 : i32
      %dma_start3A_118 = tpu.memref_slice %arg5[%add3A, %dma_start3A_116, %dma_start3A_117] : memref<32x80x128xi32, #tpu.memory_space<hbm>> -> memref<1x80x128xi32, #tpu.memory_space<hbm>>
      %dma_start3A_119 = tpu.memref_squeeze %dma_start3A_118 : memref<1x80x128xi32, #tpu.memory_space<hbm>> -> memref<80x128xi32, #tpu.memory_space<hbm>>
      tpu.enqueue_dma source(%dma_start3A_119 : memref<80x128xi32, #tpu.memory_space<hbm>>) target(%dma_start3A_115 : memref<80x128xi32, #tpu.memory_space<vmem>>) target_semaphore(%run_scoped3A : memref<!tpu.dma_semaphore, #tpu.memory_space<semaphore_mem>>)
      %dma_wait3A_120 = arith.constant 80 : i32
      %dma_wait3A_121 = arith.constant 0 : i32
      %dma_wait3A_122 = tpu.memref_slice %arg11[%dma_wait3A_120, %dma_wait3A_121] : memref<240x128xi32, #tpu.memory_space<vmem>> -> memref<80x128xi32, #tpu.memory_space<vmem>>
      %dma_wait3A_123 = arith.constant 0 : i32
      %dma_wait3A_124 = arith.constant 0 : i32
      %dma_wait3A_125 = tpu.memref_slice %arg5[%add3A, %dma_wait3A_123, %dma_wait3A_124] : memref<32x80x128xi32, #tpu.memory_space<hbm>> -> memref<1x80x128xi32, #tpu.memory_space<hbm>>
      %dma_wait3A_126 = tpu.memref_squeeze %dma_wait3A_125 : memref<1x80x128xi32, #tpu.memory_space<hbm>> -> memref<80x128xi32, #tpu.memory_space<hbm>>
      %dma_wait3A_127 = arith.constant 80 : i32
      %dma_wait3A_128 = arith.constant 0 : i32
      %dma_wait3A_129 = tpu.memref_slice %arg11[%dma_wait3A_127, %dma_wait3A_128] : memref<240x128xi32, #tpu.memory_space<vmem>> -> memref<80x128xi32, #tpu.memory_space<vmem>>
      %dma_wait3A_130 = arith.constant 0 : i32
      %dma_wait3A_131 = arith.constant 0 : i32
      %dma_wait3A_132 = tpu.memref_slice %arg5[%add3A, %dma_wait3A_130, %dma_wait3A_131] : memref<32x80x128xi32, #tpu.memory_space<hbm>> -> memref<1x80x128xi32, #tpu.memory_space<hbm>>
      %dma_wait3A_133 = tpu.memref_squeeze %dma_wait3A_132 : memref<1x80x128xi32, #tpu.memory_space<hbm>> -> memref<80x128xi32, #tpu.memory_space<hbm>>
      tpu.wait_dma2 semaphore(%run_scoped3A : memref<!tpu.dma_semaphore, #tpu.memory_space<semaphore_mem>>) src(%dma_wait3A_133 : memref<80x128xi32, #tpu.memory_space<hbm>>) dst(%dma_wait3A_129 : memref<80x128xi32, #tpu.memory_space<vmem>>)
      tpu.yield
    }) : () -> ()
    "tpu.region"() ({
      %run_scoped3A = tpu.sem_alloc : memref<!tpu.dma_semaphore, #tpu.memory_space<semaphore_mem>>
      %dma_start3A_106 = arith.constant 160 : i32
      %dma_start3A_107 = arith.constant 0 : i32
      %dma_start3A_108 = tpu.memref_slice %arg11[%dma_start3A_106, %dma_start3A_107] : memref<240x128xi32, #tpu.memory_space<vmem>> -> memref<80x128xi32, #tpu.memory_space<vmem>>
      %dma_start3A_109 = arith.constant 0 : i32
      %dma_start3A_110 = arith.constant 0 : i32
      %dma_start3A_111 = tpu.memref_slice %arg7[%add3A, %dma_start3A_109, %dma_start3A_110] : memref<32x80x128xi32, #tpu.memory_space<hbm>> -> memref<1x80x128xi32, #tpu.memory_space<hbm>>
      %dma_start3A_112 = tpu.memref_squeeze %dma_start3A_111 : memref<1x80x128xi32, #tpu.memory_space<hbm>> -> memref<80x128xi32, #tpu.memory_space<hbm>>
      %dma_start3A_113 = arith.constant 160 : i32
      %dma_start3A_114 = arith.constant 0 : i32
      %dma_start3A_115 = tpu.memref_slice %arg11[%dma_start3A_113, %dma_start3A_114] : memref<240x128xi32, #tpu.memory_space<vmem>> -> memref<80x128xi32, #tpu.memory_space<vmem>>
      %dma_start3A_116 = arith.constant 0 : i32
      %dma_start3A_117 = arith.constant 0 : i32
      %dma_start3A_118 = tpu.memref_slice %arg7[%add3A, %dma_start3A_116, %dma_start3A_117] : memref<32x80x128xi32, #tpu.memory_space<hbm>> -> memref<1x80x128xi32, #tpu.memory_space<hbm>>
      %dma_start3A_119 = tpu.memref_squeeze %dma_start3A_118 : memref<1x80x128xi32, #tpu.memory_space<hbm>> -> memref<80x128xi32, #tpu.memory_space<hbm>>
      tpu.enqueue_dma source(%dma_start3A_119 : memref<80x128xi32, #tpu.memory_space<hbm>>) target(%dma_start3A_115 : memref<80x128xi32, #tpu.memory_space<vmem>>) target_semaphore(%run_scoped3A : memref<!tpu.dma_semaphore, #tpu.memory_space<semaphore_mem>>)
      %dma_wait3A_120 = arith.constant 160 : i32
      %dma_wait3A_121 = arith.constant 0 : i32
      %dma_wait3A_122 = tpu.memref_slice %arg11[%dma_wait3A_120, %dma_wait3A_121] : memref<240x128xi32, #tpu.memory_space<vmem>> -> memref<80x128xi32, #tpu.memory_space<vmem>>
      %dma_wait3A_123 = arith.constant 0 : i32
      %dma_wait3A_124 = arith.constant 0 : i32
      %dma_wait3A_125 = tpu.memref_slice %arg7[%add3A, %dma_wait3A_123, %dma_wait3A_124] : memref<32x80x128xi32, #tpu.memory_space<hbm>> -> memref<1x80x128xi32, #tpu.memory_space<hbm>>
      %dma_wait3A_126 = tpu.memref_squeeze %dma_wait3A_125 : memref<1x80x128xi32, #tpu.memory_space<hbm>> -> memref<80x128xi32, #tpu.memory_space<hbm>>
      %dma_wait3A_127 = arith.constant 160 : i32
      %dma_wait3A_128 = arith.constant 0 : i32
      %dma_wait3A_129 = tpu.memref_slice %arg11[%dma_wait3A_127, %dma_wait3A_128] : memref<240x128xi32, #tpu.memory_space<vmem>> -> memref<80x128xi32, #tpu.memory_space<vmem>>
      %dma_wait3A_130 = arith.constant 0 : i32
      %dma_wait3A_131 = arith.constant 0 : i32
      %dma_wait3A_132 = tpu.memref_slice %arg7[%add3A, %dma_wait3A_130, %dma_wait3A_131] : memref<32x80x128xi32, #tpu.memory_space<hbm>> -> memref<1x80x128xi32, #tpu.memory_space<hbm>>
      %dma_wait3A_133 = tpu.memref_squeeze %dma_wait3A_132 : memref<1x80x128xi32, #tpu.memory_space<hbm>> -> memref<80x128xi32, #tpu.memory_space<hbm>>
      tpu.wait_dma2 semaphore(%run_scoped3A : memref<!tpu.dma_semaphore, #tpu.memory_space<semaphore_mem>>) src(%dma_wait3A_133 : memref<80x128xi32, #tpu.memory_space<hbm>>) dst(%dma_wait3A_129 : memref<80x128xi32, #tpu.memory_space<vmem>>)
      tpu.yield
    }) : () -> ()
    %dma_start3A = arith.constant 1 : i32
    %dma_start3A_3 = arith.constant 0 : i32
    %dma_start3A_4 = tpu.memref_slice %arg10[%dma_start3A, %dma_start3A_3] : memref<240x128xi32, #tpu.memory_space<vmem>> -> memref<1x128xi32, #tpu.memory_space<vmem>>
    %dma_start3A_5 = tpu.memref_squeeze %dma_start3A_4 : memref<1x128xi32, #tpu.memory_space<vmem>> -> memref<128xi32, #tpu.memory_space<vmem>>
    %dma_start3A_6 = arith.constant 0 : i32
    %dma_start3A_7 = arith.constant 0 : i32
    %dma_start3A_8 = tpu.memref_slice %arg8[%dma_start3A_6, %dma_start3A_7] : memref<1000000x64xf32, #tpu.memory_space<hbm>> -> memref<1000000x64xf32, #tpu.memory_space<hbm>>
    tpu.enqueue_indirect_dma source(%dma_start3A_8 : memref<1000000x64xf32, #tpu.memory_space<hbm>>) target(%arg14 : memref<128x64xf32, #tpu.memory_space<vmem>>) offsets(%dma_start3A_5 : memref<128xi32, #tpu.memory_space<vmem>>) semaphore(%arg18 : memref<!tpu.dma_semaphore, #tpu.memory_space<semaphore_mem>>)
    %dma_start3A_9 = arith.constant 2 : i32
    %dma_start3A_10 = arith.constant 0 : i32
    %dma_start3A_11 = tpu.memref_slice %arg10[%dma_start3A_9, %dma_start3A_10] : memref<240x128xi32, #tpu.memory_space<vmem>> -> memref<1x128xi32, #tpu.memory_space<vmem>>
    %dma_start3A_12 = tpu.memref_squeeze %dma_start3A_11 : memref<1x128xi32, #tpu.memory_space<vmem>> -> memref<128xi32, #tpu.memory_space<vmem>>
    %dma_start3A_13 = arith.constant 0 : i32
    %dma_start3A_14 = arith.constant 0 : i32
    %dma_start3A_15 = tpu.memref_slice %arg8[%dma_start3A_13, %dma_start3A_14] : memref<1000000x64xf32, #tpu.memory_space<hbm>> -> memref<1000000x64xf32, #tpu.memory_space<hbm>>
    tpu.enqueue_indirect_dma source(%dma_start3A_15 : memref<1000000x64xf32, #tpu.memory_space<hbm>>) target(%arg15 : memref<128x64xf32, #tpu.memory_space<vmem>>) offsets(%dma_start3A_12 : memref<128xi32, #tpu.memory_space<vmem>>) semaphore(%arg19 : memref<!tpu.dma_semaphore, #tpu.memory_space<semaphore_mem>>)
    %dma_start3A_16 = arith.constant 3 : i32
    %dma_start3A_17 = arith.constant 0 : i32
    %dma_start3A_18 = tpu.memref_slice %arg10[%dma_start3A_16, %dma_start3A_17] : memref<240x128xi32, #tpu.memory_space<vmem>> -> memref<1x128xi32, #tpu.memory_space<vmem>>
    %dma_start3A_19 = tpu.memref_squeeze %dma_start3A_18 : memref<1x128xi32, #tpu.memory_space<vmem>> -> memref<128xi32, #tpu.memory_space<vmem>>
    %dma_start3A_20 = arith.constant 0 : i32
    %dma_start3A_21 = arith.constant 0 : i32
    %dma_start3A_22 = tpu.memref_slice %arg8[%dma_start3A_20, %dma_start3A_21] : memref<1000000x64xf32, #tpu.memory_space<hbm>> -> memref<1000000x64xf32, #tpu.memory_space<hbm>>
    tpu.enqueue_indirect_dma source(%dma_start3A_22 : memref<1000000x64xf32, #tpu.memory_space<hbm>>) target(%arg16 : memref<128x64xf32, #tpu.memory_space<vmem>>) offsets(%dma_start3A_19 : memref<128xi32, #tpu.memory_space<vmem>>) semaphore(%arg20 : memref<!tpu.dma_semaphore, #tpu.memory_space<semaphore_mem>>)
    %broadcast_in_dim3A = arith.constant 0.000000e+00 : f32
    %broadcast_in_dim3A_23 = vector.broadcast %broadcast_in_dim3A : f32 to vector<16xf32>
    %scan3A = arith.constant 0 : i32
    %scan3A_24 = arith.constant 0 : i32
    %scan3A_25 = arith.constant 128 : i32
    %scan3A_26 = arith.addi %scan3A_24, %scan3A_25 : i32
    %scan3A_27 = arith.constant 1 : i32
    scf.for %scan3A_106 = %scan3A_24 to %scan3A_26 step %scan3A_27  : i32 {
      %swap3A = arith.index_cast %scan3A_106 : i32 to index
      %swap3A_107 = arith.constant 0 : index
      %swap3A_108 = tpu.vector_load %arg13[%swap3A, %swap3A_107] {strides = array<i32>} : memref<128x64xf32, #tpu.memory_space<vmem>>, vector<16xf32>,
      tpu.vector_store %arg13[%swap3A, %swap3A_107], %broadcast_in_dim3A_23 {strides = array<i32>} : memref<128x64xf32, #tpu.memory_space<vmem>>, vector<16xf32>,
      %swap3A_109 = arith.index_cast %scan3A_106 : i32 to index
      %swap3A_110 = arith.constant 16 : index
      %swap3A_111 = tpu.vector_load %arg13[%swap3A_109, %swap3A_110] {strides = array<i32>} : memref<128x64xf32, #tpu.memory_space<vmem>>, vector<16xf32>,
      tpu.vector_store %arg13[%swap3A_109, %swap3A_110], %broadcast_in_dim3A_23 {strides = array<i32>} : memref<128x64xf32, #tpu.memory_space<vmem>>, vector<16xf32>,
      %swap3A_112 = arith.index_cast %scan3A_106 : i32 to index
      %swap3A_113 = arith.constant 32 : index
      %swap3A_114 = tpu.vector_load %arg13[%swap3A_112, %swap3A_113] {strides = array<i32>} : memref<128x64xf32, #tpu.memory_space<vmem>>, vector<16xf32>,
      tpu.vector_store %arg13[%swap3A_112, %swap3A_113], %broadcast_in_dim3A_23 {strides = array<i32>} : memref<128x64xf32, #tpu.memory_space<vmem>>, vector<16xf32>,
      %swap3A_115 = arith.index_cast %scan3A_106 : i32 to index
      %swap3A_116 = arith.constant 48 : index
      %swap3A_117 = tpu.vector_load %arg13[%swap3A_115, %swap3A_116] {strides = array<i32>} : memref<128x64xf32, #tpu.memory_space<vmem>>, vector<16xf32>,
      tpu.vector_store %arg13[%swap3A_115, %swap3A_116], %broadcast_in_dim3A_23 {strides = array<i32>} : memref<128x64xf32, #tpu.memory_space<vmem>>, vector<16xf32>,
    }
    %scan3A_28 = arith.constant 128 : i32
    %add3A_29 = arith.constant 0 : i32
    %add3A_30 = arith.addi %mul3A_2, %add3A_29 : i32
    "tpu.region"() ({
      %run_scoped3A = tpu.sem_alloc : memref<!tpu.dma_semaphore, #tpu.memory_space<semaphore_mem>>
      %dma_start3A_106 = arith.constant 0 : i32
      %dma_start3A_107 = tpu.memref_slice %arg12[%add3A_30, %dma_start3A_106] : memref<8320x64xf32, #tpu.memory_space<vmem_shared>> -> memref<128x64xf32, #tpu.memory_space<vmem_shared>>
      %dma_start3A_108 = arith.constant 0 : i32
      %dma_start3A_109 = tpu.memref_slice %arg12[%add3A_30, %dma_start3A_108] : memref<8320x64xf32, #tpu.memory_space<vmem_shared>> -> memref<128x64xf32, #tpu.memory_space<vmem_shared>>
      tpu.enqueue_dma source(%arg13 : memref<128x64xf32, #tpu.memory_space<vmem>>) target(%dma_start3A_109 : memref<128x64xf32, #tpu.memory_space<vmem_shared>>) target_semaphore(%run_scoped3A : memref<!tpu.dma_semaphore, #tpu.memory_space<semaphore_mem>>)
      %dma_wait3A_110 = arith.constant 0 : i32
      %dma_wait3A_111 = tpu.memref_slice %arg12[%add3A_30, %dma_wait3A_110] : memref<8320x64xf32, #tpu.memory_space<vmem_shared>> -> memref<128x64xf32, #tpu.memory_space<vmem_shared>>
      %dma_wait3A_112 = arith.constant 0 : i32
      %dma_wait3A_113 = tpu.memref_slice %arg12[%add3A_30, %dma_wait3A_112] : memref<8320x64xf32, #tpu.memory_space<vmem_shared>> -> memref<128x64xf32, #tpu.memory_space<vmem_shared>>
      tpu.wait_dma2 semaphore(%run_scoped3A : memref<!tpu.dma_semaphore, #tpu.memory_space<semaphore_mem>>) src(%arg13 : memref<128x64xf32, #tpu.memory_space<vmem>>) dst(%dma_wait3A_113 : memref<128x64xf32, #tpu.memory_space<vmem_shared>>)
      tpu.yield
    }) : () -> ()
    %add3A_31 = arith.constant 128 : i32
    %add3A_32 = arith.addi %mul3A_2, %add3A_31 : i32
    "tpu.region"() ({
      %run_scoped3A = tpu.sem_alloc : memref<!tpu.dma_semaphore, #tpu.memory_space<semaphore_mem>>
      %dma_start3A_106 = arith.constant 0 : i32
      %dma_start3A_107 = tpu.memref_slice %arg12[%add3A_32, %dma_start3A_106] : memref<8320x64xf32, #tpu.memory_space<vmem_shared>> -> memref<128x64xf32, #tpu.memory_space<vmem_shared>>
      %dma_start3A_108 = arith.constant 0 : i32
      %dma_start3A_109 = tpu.memref_slice %arg12[%add3A_32, %dma_start3A_108] : memref<8320x64xf32, #tpu.memory_space<vmem_shared>> -> memref<128x64xf32, #tpu.memory_space<vmem_shared>>
      tpu.enqueue_dma source(%arg13 : memref<128x64xf32, #tpu.memory_space<vmem>>) target(%dma_start3A_109 : memref<128x64xf32, #tpu.memory_space<vmem_shared>>) target_semaphore(%run_scoped3A : memref<!tpu.dma_semaphore, #tpu.memory_space<semaphore_mem>>)
      %dma_wait3A_110 = arith.constant 0 : i32
      %dma_wait3A_111 = tpu.memref_slice %arg12[%add3A_32, %dma_wait3A_110] : memref<8320x64xf32, #tpu.memory_space<vmem_shared>> -> memref<128x64xf32, #tpu.memory_space<vmem_shared>>
      %dma_wait3A_112 = arith.constant 0 : i32
      %dma_wait3A_113 = tpu.memref_slice %arg12[%add3A_32, %dma_wait3A_112] : memref<8320x64xf32, #tpu.memory_space<vmem_shared>> -> memref<128x64xf32, #tpu.memory_space<vmem_shared>>
      tpu.wait_dma2 semaphore(%run_scoped3A : memref<!tpu.dma_semaphore, #tpu.memory_space<semaphore_mem>>) src(%arg13 : memref<128x64xf32, #tpu.memory_space<vmem>>) dst(%dma_wait3A_113 : memref<128x64xf32, #tpu.memory_space<vmem_shared>>)
      tpu.yield
    }) : () -> ()
    %add3A_33 = arith.constant 256 : i32
    %add3A_34 = arith.addi %mul3A_2, %add3A_33 : i32
    "tpu.region"() ({
      %run_scoped3A = tpu.sem_alloc : memref<!tpu.dma_semaphore, #tpu.memory_space<semaphore_mem>>
      %dma_start3A_106 = arith.constant 0 : i32
      %dma_start3A_107 = tpu.memref_slice %arg12[%add3A_34, %dma_start3A_106] : memref<8320x64xf32, #tpu.memory_space<vmem_shared>> -> memref<128x64xf32, #tpu.memory_space<vmem_shared>>
      %dma_start3A_108 = arith.constant 0 : i32
      %dma_start3A_109 = tpu.memref_slice %arg12[%add3A_34, %dma_start3A_108] : memref<8320x64xf32, #tpu.memory_space<vmem_shared>> -> memref<128x64xf32, #tpu.memory_space<vmem_shared>>
      tpu.enqueue_dma source(%arg13 : memref<128x64xf32, #tpu.memory_space<vmem>>) target(%dma_start3A_109 : memref<128x64xf32, #tpu.memory_space<vmem_shared>>) target_semaphore(%run_scoped3A : memref<!tpu.dma_semaphore, #tpu.memory_space<semaphore_mem>>)
      %dma_wait3A_110 = arith.constant 0 : i32
      %dma_wait3A_111 = tpu.memref_slice %arg12[%add3A_34, %dma_wait3A_110] : memref<8320x64xf32, #tpu.memory_space<vmem_shared>> -> memref<128x64xf32, #tpu.memory_space<vmem_shared>>
      %dma_wait3A_112 = arith.constant 0 : i32
      %dma_wait3A_113 = tpu.memref_slice %arg12[%add3A_34, %dma_wait3A_112] : memref<8320x64xf32, #tpu.memory_space<vmem_shared>> -> memref<128x64xf32, #tpu.memory_space<vmem_shared>>
      tpu.wait_dma2 semaphore(%run_scoped3A : memref<!tpu.dma_semaphore, #tpu.memory_space<semaphore_mem>>) src(%arg13 : memref<128x64xf32, #tpu.memory_space<vmem>>) dst(%dma_wait3A_113 : memref<128x64xf32, #tpu.memory_space<vmem_shared>>)
      tpu.yield
    }) : () -> ()
    %add3A_35 = arith.constant 384 : i32
    %add3A_36 = arith.addi %mul3A_2, %add3A_35 : i32
    "tpu.region"() ({
      %run_scoped3A = tpu.sem_alloc : memref<!tpu.dma_semaphore, #tpu.memory_space<semaphore_mem>>
      %dma_start3A_106 = arith.constant 0 : i32
      %dma_start3A_107 = tpu.memref_slice %arg12[%add3A_36, %dma_start3A_106] : memref<8320x64xf32, #tpu.memory_space<vmem_shared>> -> memref<128x64xf32, #tpu.memory_space<vmem_shared>>
      %dma_start3A_108 = arith.constant 0 : i32
      %dma_start3A_109 = tpu.memref_slice %arg12[%add3A_36, %dma_start3A_108] : memref<8320x64xf32, #tpu.memory_space<vmem_shared>> -> memref<128x64xf32, #tpu.memory_space<vmem_shared>>
      tpu.enqueue_dma source(%arg13 : memref<128x64xf32, #tpu.memory_space<vmem>>) target(%dma_start3A_109 : memref<128x64xf32, #tpu.memory_space<vmem_shared>>) target_semaphore(%run_scoped3A : memref<!tpu.dma_semaphore, #tpu.memory_space<semaphore_mem>>)
      %dma_wait3A_110 = arith.constant 0 : i32
      %dma_wait3A_111 = tpu.memref_slice %arg12[%add3A_36, %dma_wait3A_110] : memref<8320x64xf32, #tpu.memory_space<vmem_shared>> -> memref<128x64xf32, #tpu.memory_space<vmem_shared>>
      %dma_wait3A_112 = arith.constant 0 : i32
      %dma_wait3A_113 = tpu.memref_slice %arg12[%add3A_36, %dma_wait3A_112] : memref<8320x64xf32, #tpu.memory_space<vmem_shared>> -> memref<128x64xf32, #tpu.memory_space<vmem_shared>>
      tpu.wait_dma2 semaphore(%run_scoped3A : memref<!tpu.dma_semaphore, #tpu.memory_space<semaphore_mem>>) src(%arg13 : memref<128x64xf32, #tpu.memory_space<vmem>>) dst(%dma_wait3A_113 : memref<128x64xf32, #tpu.memory_space<vmem_shared>>)
      tpu.yield
    }) : () -> ()
    %add3A_37 = arith.constant 512 : i32
    %add3A_38 = arith.addi %mul3A_2, %add3A_37 : i32
    "tpu.region"() ({
      %run_scoped3A = tpu.sem_alloc : memref<!tpu.dma_semaphore, #tpu.memory_space<semaphore_mem>>
      %dma_start3A_106 = arith.constant 0 : i32
      %dma_start3A_107 = arith.constant 0 : i32
      %dma_start3A_108 = tpu.memref_slice %arg13[%dma_start3A_106, %dma_start3A_107] : memref<128x64xf32, #tpu.memory_space<vmem>> -> memref<8x64xf32, #tpu.memory_space<vmem>>
      %dma_start3A_109 = arith.constant 0 : i32
      %dma_start3A_110 = tpu.memref_slice %arg12[%add3A_38, %dma_start3A_109] : memref<8320x64xf32, #tpu.memory_space<vmem_shared>> -> memref<8x64xf32, #tpu.memory_space<vmem_shared>>
      %dma_start3A_111 = arith.constant 0 : i32
      %dma_start3A_112 = tpu.memref_slice %arg12[%add3A_38, %dma_start3A_111] : memref<8320x64xf32, #tpu.memory_space<vmem_shared>> -> memref<8x64xf32, #tpu.memory_space<vmem_shared>>
      %dma_start3A_113 = arith.constant 0 : i32
      %dma_start3A_114 = arith.constant 0 : i32
      %dma_start3A_115 = tpu.memref_slice %arg13[%dma_start3A_113, %dma_start3A_114] : memref<128x64xf32, #tpu.memory_space<vmem>> -> memref<8x64xf32, #tpu.memory_space<vmem>>
      tpu.enqueue_dma source(%dma_start3A_115 : memref<8x64xf32, #tpu.memory_space<vmem>>) target(%dma_start3A_112 : memref<8x64xf32, #tpu.memory_space<vmem_shared>>) target_semaphore(%run_scoped3A : memref<!tpu.dma_semaphore, #tpu.memory_space<semaphore_mem>>)
      %dma_wait3A_116 = arith.constant 0 : i32
      %dma_wait3A_117 = arith.constant 0 : i32
      %dma_wait3A_118 = tpu.memref_slice %arg13[%dma_wait3A_116, %dma_wait3A_117] : memref<128x64xf32, #tpu.memory_space<vmem>> -> memref<8x64xf32, #tpu.memory_space<vmem>>
      %dma_wait3A_119 = arith.constant 0 : i32
      %dma_wait3A_120 = tpu.memref_slice %arg12[%add3A_38, %dma_wait3A_119] : memref<8320x64xf32, #tpu.memory_space<vmem_shared>> -> memref<8x64xf32, #tpu.memory_space<vmem_shared>>
      %dma_wait3A_121 = arith.constant 0 : i32
      %dma_wait3A_122 = tpu.memref_slice %arg12[%add3A_38, %dma_wait3A_121] : memref<8320x64xf32, #tpu.memory_space<vmem_shared>> -> memref<8x64xf32, #tpu.memory_space<vmem_shared>>
      %dma_wait3A_123 = arith.constant 0 : i32
      %dma_wait3A_124 = arith.constant 0 : i32
      %dma_wait3A_125 = tpu.memref_slice %arg13[%dma_wait3A_123, %dma_wait3A_124] : memref<128x64xf32, #tpu.memory_space<vmem>> -> memref<8x64xf32, #tpu.memory_space<vmem>>
      tpu.wait_dma2 semaphore(%run_scoped3A : memref<!tpu.dma_semaphore, #tpu.memory_space<semaphore_mem>>) src(%dma_wait3A_125 : memref<8x64xf32, #tpu.memory_space<vmem>>) dst(%dma_wait3A_122 : memref<8x64xf32, #tpu.memory_space<vmem_shared>>)
      tpu.yield
    }) : () -> ()
    %dma_start3A_39 = arith.constant 0 : i32
    %dma_start3A_40 = arith.constant 0 : i32
    %dma_start3A_41 = tpu.memref_slice %arg10[%dma_start3A_39, %dma_start3A_40] : memref<240x128xi32, #tpu.memory_space<vmem>> -> memref<1x128xi32, #tpu.memory_space<vmem>>
    %dma_start3A_42 = tpu.memref_squeeze %dma_start3A_41 : memref<1x128xi32, #tpu.memory_space<vmem>> -> memref<128xi32, #tpu.memory_space<vmem>>
    %dma_start3A_43 = arith.constant 0 : i32
    %dma_start3A_44 = arith.constant 0 : i32
    %dma_start3A_45 = tpu.memref_slice %arg8[%dma_start3A_43, %dma_start3A_44] : memref<1000000x64xf32, #tpu.memory_space<hbm>> -> memref<1000000x64xf32, #tpu.memory_space<hbm>>
    tpu.enqueue_indirect_dma source(%dma_start3A_45 : memref<1000000x64xf32, #tpu.memory_space<hbm>>) target(%arg13 : memref<128x64xf32, #tpu.memory_space<vmem>>) offsets(%dma_start3A_42 : memref<128xi32, #tpu.memory_space<vmem>>) semaphore(%arg17 : memref<!tpu.dma_semaphore, #tpu.memory_space<semaphore_mem>>)
    %iota3A = tpu.iota {dimensions = array<i32: 0>} : vector<16xi32>
    %add3A_46 = arith.constant 512 : i32
    %add3A_47 = arith.addi %mul3A_2, %add3A_46 : i32
    %broadcast_in_dim3A_48 = vector.broadcast %add3A_47 : i32 to vector<16xi32>
    %scan3A_49 = arith.constant 0 : i32
    %scan3A_50 = arith.constant 0 : i32
    %scan3A_51 = arith.constant 60 : i32
    %scan3A_52 = arith.addi %scan3A_50, %scan3A_51 : i32
    %scan3A_53 = arith.constant 1 : i32
    scf.for %scan3A_106 = %scan3A_50 to %scan3A_52 step %scan3A_53  : i32 {
      %mul3A_107 = arith.constant 4 : i32
      %mul3A_108 = arith.muli %scan3A_106, %mul3A_107 : i32
      %add3A_109 = arith.constant 0 : i32
      %add3A_110 = arith.addi %mul3A_108, %add3A_109 : i32
      %rem3A = arith.constant 80 : i32
      %rem3A_111 = arith.remsi %add3A_110, %rem3A : i32
      %mul3A_112 = arith.constant 128 : i32
      %mul3A_113 = arith.muli %rem3A_111, %mul3A_112 : i32
      %add3A_114 = arith.constant 0 : i32
      %add3A_115 = arith.addi %mul3A_113, %add3A_114 : i32
      %add3A_116 = vector.broadcast %add3A_115 : i32 to vector<16xi32>
      %add3A_117 = arith.addi %iota3A, %add3A_116 : vector<16xi32>
      %div3A = arith.constant 20 : i32
      %div3A_118 = vector.broadcast %div3A : i32 to vector<16xi32>
      %div3A_119 = arith.divsi %add3A_117, %div3A_118 : vector<16xi32>
      %get3A = arith.index_cast %add3A_110 : i32 to index
      %get3A_120 = arith.constant 0 : index
      %get3A_121 = tpu.vector_load %arg11[%get3A, %get3A_120] {strides = array<i32>} : memref<240x128xi32, #tpu.memory_space<vmem>>, vector<16xi32>,
      %bitcast3A = vector.bitcast %get3A_121 : vector<16xi32> to vector<16xf32>
      %ne3A = arith.constant 0.000000e+00 : f32
      %ne3A_122 = vector.broadcast %ne3A : f32 to vector<16xf32>
      %ne3A_123 = arith.cmpf one, %bitcast3A, %ne3A_122 : vector<16xf32>
      %add3A_124 = vector.broadcast %mul3A_2 : i32 to vector<16xi32>
      %add3A_125 = arith.addi %add3A_124, %div3A_119 : vector<16xi32>
      %select_n3A = arith.select %ne3A_123, %add3A_125, %broadcast_in_dim3A_48 : vector<16xi1>, vector<16xi32>
      %swap3A = arith.index_cast %add3A_110 : i32 to index
      %swap3A_126 = arith.constant 0 : index
      %swap3A_127 = tpu.vector_load %arg11[%swap3A, %swap3A_126] {strides = array<i32>} : memref<240x128xi32, #tpu.memory_space<vmem>>, vector<16xi32>,
      tpu.vector_store %arg11[%swap3A, %swap3A_126], %select_n3A {strides = array<i32>} : memref<240x128xi32, #tpu.memory_space<vmem>>, vector<16xi32>,
      %rem3A_128 = arith.constant 80 : i32
      %rem3A_129 = arith.remsi %add3A_110, %rem3A_128 : i32
      %mul3A_130 = arith.constant 128 : i32
      %mul3A_131 = arith.muli %rem3A_129, %mul3A_130 : i32
      %add3A_132 = arith.constant 16 : i32
      %add3A_133 = arith.addi %mul3A_131, %add3A_132 : i32
      %add3A_134 = vector.broadcast %add3A_133 : i32 to vector<16xi32>
      %add3A_135 = arith.addi %iota3A, %add3A_134 : vector<16xi32>
      %div3A_136 = arith.constant 20 : i32
      %div3A_137 = vector.broadcast %div3A_136 : i32 to vector<16xi32>
      %div3A_138 = arith.divsi %add3A_135, %div3A_137 : vector<16xi32>
      %get3A_139 = arith.index_cast %add3A_110 : i32 to index
      %get3A_140 = arith.constant 16 : index
      %get3A_141 = tpu.vector_load %arg11[%get3A_139, %get3A_140] {strides = array<i32>} : memref<240x128xi32, #tpu.memory_space<vmem>>, vector<16xi32>,
      %bitcast3A_142 = vector.bitcast %get3A_141 : vector<16xi32> to vector<16xf32>
      %ne3A_143 = arith.constant 0.000000e+00 : f32
      %ne3A_144 = vector.broadcast %ne3A_143 : f32 to vector<16xf32>
      %ne3A_145 = arith.cmpf one, %bitcast3A_142, %ne3A_144 : vector<16xf32>
      %add3A_146 = vector.broadcast %mul3A_2 : i32 to vector<16xi32>
      %add3A_147 = arith.addi %add3A_146, %div3A_138 : vector<16xi32>
      %select_n3A_148 = arith.select %ne3A_145, %add3A_147, %broadcast_in_dim3A_48 : vector<16xi1>, vector<16xi32>
      %swap3A_149 = arith.index_cast %add3A_110 : i32 to index
      %swap3A_150 = arith.constant 16 : index
      %swap3A_151 = tpu.vector_load %arg11[%swap3A_149, %swap3A_150] {strides = array<i32>} : memref<240x128xi32, #tpu.memory_space<vmem>>, vector<16xi32>,
      tpu.vector_store %arg11[%swap3A_149, %swap3A_150], %select_n3A_148 {strides = array<i32>} : memref<240x128xi32, #tpu.memory_space<vmem>>, vector<16xi32>,
      %rem3A_152 = arith.constant 80 : i32
      %rem3A_153 = arith.remsi %add3A_110, %rem3A_152 : i32
      %mul3A_154 = arith.constant 128 : i32
      %mul3A_155 = arith.muli %rem3A_153, %mul3A_154 : i32
      %add3A_156 = arith.constant 32 : i32
      %add3A_157 = arith.addi %mul3A_155, %add3A_156 : i32
      %add3A_158 = vector.broadcast %add3A_157 : i32 to vector<16xi32>
      %add3A_159 = arith.addi %iota3A, %add3A_158 : vector<16xi32>
      %div3A_160 = arith.constant 20 : i32
      %div3A_161 = vector.broadcast %div3A_160 : i32 to vector<16xi32>
      %div3A_162 = arith.divsi %add3A_159, %div3A_161 : vector<16xi32>
      %get3A_163 = arith.index_cast %add3A_110 : i32 to index
      %get3A_164 = arith.constant 32 : index
      %get3A_165 = tpu.vector_load %arg11[%get3A_163, %get3A_164] {strides = array<i32>} : memref<240x128xi32, #tpu.memory_space<vmem>>, vector<16xi32>,
      %bitcast3A_166 = vector.bitcast %get3A_165 : vector<16xi32> to vector<16xf32>
      %ne3A_167 = arith.constant 0.000000e+00 : f32
      %ne3A_168 = vector.broadcast %ne3A_167 : f32 to vector<16xf32>
      %ne3A_169 = arith.cmpf one, %bitcast3A_166, %ne3A_168 : vector<16xf32>
      %add3A_170 = vector.broadcast %mul3A_2 : i32 to vector<16xi32>
      %add3A_171 = arith.addi %add3A_170, %div3A_162 : vector<16xi32>
      %select_n3A_172 = arith.select %ne3A_169, %add3A_171, %broadcast_in_dim3A_48 : vector<16xi1>, vector<16xi32>
      %swap3A_173 = arith.index_cast %add3A_110 : i32 to index
      %swap3A_174 = arith.constant 32 : index
      %swap3A_175 = tpu.vector_load %arg11[%swap3A_173, %swap3A_174] {strides = array<i32>} : memref<240x128xi32, #tpu.memory_space<vmem>>, vector<16xi32>,
      tpu.vector_store %arg11[%swap3A_173, %swap3A_174], %select_n3A_172 {strides = array<i32>} : memref<240x128xi32, #tpu.memory_space<vmem>>, vector<16xi32>,
      %rem3A_176 = arith.constant 80 : i32
      %rem3A_177 = arith.remsi %add3A_110, %rem3A_176 : i32
      %mul3A_178 = arith.constant 128 : i32
      %mul3A_179 = arith.muli %rem3A_177, %mul3A_178 : i32
      %add3A_180 = arith.constant 48 : i32
      %add3A_181 = arith.addi %mul3A_179, %add3A_180 : i32
      %add3A_182 = vector.broadcast %add3A_181 : i32 to vector<16xi32>
      %add3A_183 = arith.addi %iota3A, %add3A_182 : vector<16xi32>
      %div3A_184 = arith.constant 20 : i32
      %div3A_185 = vector.broadcast %div3A_184 : i32 to vector<16xi32>
      %div3A_186 = arith.divsi %add3A_183, %div3A_185 : vector<16xi32>
      %get3A_187 = arith.index_cast %add3A_110 : i32 to index
      %get3A_188 = arith.constant 48 : index
      %get3A_189 = tpu.vector_load %arg11[%get3A_187, %get3A_188] {strides = array<i32>} : memref<240x128xi32, #tpu.memory_space<vmem>>, vector<16xi32>,
      %bitcast3A_190 = vector.bitcast %get3A_189 : vector<16xi32> to vector<16xf32>
      %ne3A_191 = arith.constant 0.000000e+00 : f32
      %ne3A_192 = vector.broadcast %ne3A_191 : f32 to vector<16xf32>
      %ne3A_193 = arith.cmpf one, %bitcast3A_190, %ne3A_192 : vector<16xf32>
      %add3A_194 = vector.broadcast %mul3A_2 : i32 to vector<16xi32>
      %add3A_195 = arith.addi %add3A_194, %div3A_186 : vector<16xi32>
      %select_n3A_196 = arith.select %ne3A_193, %add3A_195, %broadcast_in_dim3A_48 : vector<16xi1>, vector<16xi32>
      %swap3A_197 = arith.index_cast %add3A_110 : i32 to index
      %swap3A_198 = arith.constant 48 : index
      %swap3A_199 = tpu.vector_load %arg11[%swap3A_197, %swap3A_198] {strides = array<i32>} : memref<240x128xi32, #tpu.memory_space<vmem>>, vector<16xi32>,
      tpu.vector_store %arg11[%swap3A_197, %swap3A_198], %select_n3A_196 {strides = array<i32>} : memref<240x128xi32, #tpu.memory_space<vmem>>, vector<16xi32>,
      %rem3A_200 = arith.constant 80 : i32
      %rem3A_201 = arith.remsi %add3A_110, %rem3A_200 : i32
      %mul3A_202 = arith.constant 128 : i32
      %mul3A_203 = arith.muli %rem3A_201, %mul3A_202 : i32
      %add3A_204 = arith.constant 64 : i32
      %add3A_205 = arith.addi %mul3A_203, %add3A_204 : i32
      %add3A_206 = vector.broadcast %add3A_205 : i32 to vector<16xi32>
      %add3A_207 = arith.addi %iota3A, %add3A_206 : vector<16xi32>
      %div3A_208 = arith.constant 20 : i32
      %div3A_209 = vector.broadcast %div3A_208 : i32 to vector<16xi32>
      %div3A_210 = arith.divsi %add3A_207, %div3A_209 : vector<16xi32>
      %get3A_211 = arith.index_cast %add3A_110 : i32 to index
      %get3A_212 = arith.constant 64 : index
      %get3A_213 = tpu.vector_load %arg11[%get3A_211, %get3A_212] {strides = array<i32>} : memref<240x128xi32, #tpu.memory_space<vmem>>, vector<16xi32>,
      %bitcast3A_214 = vector.bitcast %get3A_213 : vector<16xi32> to vector<16xf32>
      %ne3A_215 = arith.constant 0.000000e+00 : f32
      %ne3A_216 = vector.broadcast %ne3A_215 : f32 to vector<16xf32>
      %ne3A_217 = arith.cmpf one, %bitcast3A_214, %ne3A_216 : vector<16xf32>
      %add3A_218 = vector.broadcast %mul3A_2 : i32 to vector<16xi32>
      %add3A_219 = arith.addi %add3A_218, %div3A_210 : vector<16xi32>
      %select_n3A_220 = arith.select %ne3A_217, %add3A_219, %broadcast_in_dim3A_48 : vector<16xi1>, vector<16xi32>
      %swap3A_221 = arith.index_cast %add3A_110 : i32 to index
      %swap3A_222 = arith.constant 64 : index
      %swap3A_223 = tpu.vector_load %arg11[%swap3A_221, %swap3A_222] {strides = array<i32>} : memref<240x128xi32, #tpu.memory_space<vmem>>, vector<16xi32>,
      tpu.vector_store %arg11[%swap3A_221, %swap3A_222], %select_n3A_220 {strides = array<i32>} : memref<240x128xi32, #tpu.memory_space<vmem>>, vector<16xi32>,
      %rem3A_224 = arith.constant 80 : i32
      %rem3A_225 = arith.remsi %add3A_110, %rem3A_224 : i32
      %mul3A_226 = arith.constant 128 : i32
      %mul3A_227 = arith.muli %rem3A_225, %mul3A_226 : i32
      %add3A_228 = arith.constant 80 : i32
      %add3A_229 = arith.addi %mul3A_227, %add3A_228 : i32
      %add3A_230 = vector.broadcast %add3A_229 : i32 to vector<16xi32>
      %add3A_231 = arith.addi %iota3A, %add3A_230 : vector<16xi32>
      %div3A_232 = arith.constant 20 : i32
      %div3A_233 = vector.broadcast %div3A_232 : i32 to vector<16xi32>
      %div3A_234 = arith.divsi %add3A_231, %div3A_233 : vector<16xi32>
      %get3A_235 = arith.index_cast %add3A_110 : i32 to index
      %get3A_236 = arith.constant 80 : index
      %get3A_237 = tpu.vector_load %arg11[%get3A_235, %get3A_236] {strides = array<i32>} : memref<240x128xi32, #tpu.memory_space<vmem>>, vector<16xi32>,
      %bitcast3A_238 = vector.bitcast %get3A_237 : vector<16xi32> to vector<16xf32>
      %ne3A_239 = arith.constant 0.000000e+00 : f32
      %ne3A_240 = vector.broadcast %ne3A_239 : f32 to vector<16xf32>
      %ne3A_241 = arith.cmpf one, %bitcast3A_238, %ne3A_240 : vector<16xf32>
      %add3A_242 = vector.broadcast %mul3A_2 : i32 to vector<16xi32>
      %add3A_243 = arith.addi %add3A_242, %div3A_234 : vector<16xi32>
      %select_n3A_244 = arith.select %ne3A_241, %add3A_243, %broadcast_in_dim3A_48 : vector<16xi1>, vector<16xi32>
      %swap3A_245 = arith.index_cast %add3A_110 : i32 to index
      %swap3A_246 = arith.constant 80 : index
      %swap3A_247 = tpu.vector_load %arg11[%swap3A_245, %swap3A_246] {strides = array<i32>} : memref<240x128xi32, #tpu.memory_space<vmem>>, vector<16xi32>,
      tpu.vector_store %arg11[%swap3A_245, %swap3A_246], %select_n3A_244 {strides = array<i32>} : memref<240x128xi32, #tpu.memory_space<vmem>>, vector<16xi32>,
      %rem3A_248 = arith.constant 80 : i32
      %rem3A_249 = arith.remsi %add3A_110, %rem3A_248 : i32
      %mul3A_250 = arith.constant 128 : i32
      %mul3A_251 = arith.muli %rem3A_249, %mul3A_250 : i32
      %add3A_252 = arith.constant 96 : i32
      %add3A_253 = arith.addi %mul3A_251, %add3A_252 : i32
      %add3A_254 = vector.broadcast %add3A_253 : i32 to vector<16xi32>
      %add3A_255 = arith.addi %iota3A, %add3A_254 : vector<16xi32>
      %div3A_256 = arith.constant 20 : i32
      %div3A_257 = vector.broadcast %div3A_256 : i32 to vector<16xi32>
      %div3A_258 = arith.divsi %add3A_255, %div3A_257 : vector<16xi32>
      %get3A_259 = arith.index_cast %add3A_110 : i32 to index
      %get3A_260 = arith.constant 96 : index
      %get3A_261 = tpu.vector_load %arg11[%get3A_259, %get3A_260] {strides = array<i32>} : memref<240x128xi32, #tpu.memory_space<vmem>>, vector<16xi32>,
      %bitcast3A_262 = vector.bitcast %get3A_261 : vector<16xi32> to vector<16xf32>
      %ne3A_263 = arith.constant 0.000000e+00 : f32
      %ne3A_264 = vector.broadcast %ne3A_263 : f32 to vector<16xf32>
      %ne3A_265 = arith.cmpf one, %bitcast3A_262, %ne3A_264 : vector<16xf32>
      %add3A_266 = vector.broadcast %mul3A_2 : i32 to vector<16xi32>
      %add3A_267 = arith.addi %add3A_266, %div3A_258 : vector<16xi32>
      %select_n3A_268 = arith.select %ne3A_265, %add3A_267, %broadcast_in_dim3A_48 : vector<16xi1>, vector<16xi32>
      %swap3A_269 = arith.index_cast %add3A_110 : i32 to index
      %swap3A_270 = arith.constant 96 : index
      %swap3A_271 = tpu.vector_load %arg11[%swap3A_269, %swap3A_270] {strides = array<i32>} : memref<240x128xi32, #tpu.memory_space<vmem>>, vector<16xi32>,
      tpu.vector_store %arg11[%swap3A_269, %swap3A_270], %select_n3A_268 {strides = array<i32>} : memref<240x128xi32, #tpu.memory_space<vmem>>, vector<16xi32>,
      %rem3A_272 = arith.constant 80 : i32
      %rem3A_273 = arith.remsi %add3A_110, %rem3A_272 : i32
      %mul3A_274 = arith.constant 128 : i32
      %mul3A_275 = arith.muli %rem3A_273, %mul3A_274 : i32
      %add3A_276 = arith.constant 112 : i32
      %add3A_277 = arith.addi %mul3A_275, %add3A_276 : i32
      %add3A_278 = vector.broadcast %add3A_277 : i32 to vector<16xi32>
      %add3A_279 = arith.addi %iota3A, %add3A_278 : vector<16xi32>
      %div3A_280 = arith.constant 20 : i32
      %div3A_281 = vector.broadcast %div3A_280 : i32 to vector<16xi32>
      %div3A_282 = arith.divsi %add3A_279, %div3A_281 : vector<16xi32>
      %get3A_283 = arith.index_cast %add3A_110 : i32 to index
      %get3A_284 = arith.constant 112 : index
      %get3A_285 = tpu.vector_load %arg11[%get3A_283, %get3A_284] {strides = array<i32>} : memref<240x128xi32, #tpu.memory_space<vmem>>, vector<16xi32>,
      %bitcast3A_286 = vector.bitcast %get3A_285 : vector<16xi32> to vector<16xf32>
      %ne3A_287 = arith.constant 0.000000e+00 : f32
      %ne3A_288 = vector.broadcast %ne3A_287 : f32 to vector<16xf32>
      %ne3A_289 = arith.cmpf one, %bitcast3A_286, %ne3A_288 : vector<16xf32>
      %add3A_290 = vector.broadcast %mul3A_2 : i32 to vector<16xi32>
      %add3A_291 = arith.addi %add3A_290, %div3A_282 : vector<16xi32>
      %select_n3A_292 = arith.select %ne3A_289, %add3A_291, %broadcast_in_dim3A_48 : vector<16xi1>, vector<16xi32>
      %swap3A_293 = arith.index_cast %add3A_110 : i32 to index
      %swap3A_294 = arith.constant 112 : index
      %swap3A_295 = tpu.vector_load %arg11[%swap3A_293, %swap3A_294] {strides = array<i32>} : memref<240x128xi32, #tpu.memory_space<vmem>>, vector<16xi32>,
      tpu.vector_store %arg11[%swap3A_293, %swap3A_294], %select_n3A_292 {strides = array<i32>} : memref<240x128xi32, #tpu.memory_space<vmem>>, vector<16xi32>,
      %dma_wait3A_296 = arith.constant 0 : i32
      %dma_wait3A_297 = tpu.memref_slice %arg10[%add3A_110, %dma_wait3A_296] : memref<240x128xi32, #tpu.memory_space<vmem>> -> memref<1x128xi32, #tpu.memory_space<vmem>>
      %dma_wait3A_298 = tpu.memref_squeeze %dma_wait3A_297 : memref<1x128xi32, #tpu.memory_space<vmem>> -> memref<128xi32, #tpu.memory_space<vmem>>
      %dma_wait3A_299 = arith.constant 0 : i32
      %dma_wait3A_300 = arith.constant 0 : i32
      %dma_wait3A_301 = tpu.memref_slice %arg8[%dma_wait3A_299, %dma_wait3A_300] : memref<1000000x64xf32, #tpu.memory_space<hbm>> -> memref<1000000x64xf32, #tpu.memory_space<hbm>>
      tpu.wait_indirect_dma semaphore(%arg17 : memref<!tpu.dma_semaphore, #tpu.memory_space<semaphore_mem>>) src(%dma_wait3A_301 : memref<1000000x64xf32, #tpu.memory_space<hbm>>) dst(%arg13 : memref<128x64xf32, #tpu.memory_space<vmem>>)
      %dma_start3A_302 = arith.constant 0 : i32
      %dma_start3A_303 = tpu.memref_slice %arg11[%add3A_110, %dma_start3A_302] : memref<240x128xi32, #tpu.memory_space<vmem>> -> memref<1x128xi32, #tpu.memory_space<vmem>>
      %dma_start3A_304 = tpu.memref_squeeze %dma_start3A_303 : memref<1x128xi32, #tpu.memory_space<vmem>> -> memref<128xi32, #tpu.memory_space<vmem>>
      %dma_start3A_305 = arith.constant 0 : i32
      %dma_start3A_306 = arith.constant 0 : i32
      %dma_start3A_307 = tpu.memref_slice %arg12[%dma_start3A_305, %dma_start3A_306] : memref<8320x64xf32, #tpu.memory_space<vmem_shared>> -> memref<8320x64xf32, #tpu.memory_space<vmem_shared>>
      tpu.enqueue_indirect_dma source(%arg13 : memref<128x64xf32, #tpu.memory_space<vmem>>) target(%dma_start3A_307 : memref<8320x64xf32, #tpu.memory_space<vmem_shared>>) offsets(%dma_start3A_304 : memref<128xi32, #tpu.memory_space<vmem>>) semaphore(%arg21 : memref<!tpu.dma_semaphore, #tpu.memory_space<semaphore_mem>>) {add = true}
      %mul3A_308 = arith.constant 4 : i32
      %mul3A_309 = arith.muli %scan3A_106, %mul3A_308 : i32
      %add3A_310 = arith.constant 1 : i32
      %add3A_311 = arith.addi %mul3A_309, %add3A_310 : i32
      %rem3A_312 = arith.constant 80 : i32
      %rem3A_313 = arith.remsi %add3A_311, %rem3A_312 : i32
      %mul3A_314 = arith.constant 128 : i32
      %mul3A_315 = arith.muli %rem3A_313, %mul3A_314 : i32
      %add3A_316 = arith.constant 0 : i32
      %add3A_317 = arith.addi %mul3A_315, %add3A_316 : i32
      %add3A_318 = vector.broadcast %add3A_317 : i32 to vector<16xi32>
      %add3A_319 = arith.addi %iota3A, %add3A_318 : vector<16xi32>
      %div3A_320 = arith.constant 20 : i32
      %div3A_321 = vector.broadcast %div3A_320 : i32 to vector<16xi32>
      %div3A_322 = arith.divsi %add3A_319, %div3A_321 : vector<16xi32>
      %get3A_323 = arith.index_cast %add3A_311 : i32 to index
      %get3A_324 = arith.constant 0 : index
      %get3A_325 = tpu.vector_load %arg11[%get3A_323, %get3A_324] {strides = array<i32>} : memref<240x128xi32, #tpu.memory_space<vmem>>, vector<16xi32>,
      %bitcast3A_326 = vector.bitcast %get3A_325 : vector<16xi32> to vector<16xf32>
      %ne3A_327 = arith.constant 0.000000e+00 : f32
      %ne3A_328 = vector.broadcast %ne3A_327 : f32 to vector<16xf32>
      %ne3A_329 = arith.cmpf one, %bitcast3A_326, %ne3A_328 : vector<16xf32>
      %add3A_330 = vector.broadcast %mul3A_2 : i32 to vector<16xi32>
      %add3A_331 = arith.addi %add3A_330, %div3A_322 : vector<16xi32>
      %select_n3A_332 = arith.select %ne3A_329, %add3A_331, %broadcast_in_dim3A_48 : vector<16xi1>, vector<16xi32>
      %swap3A_333 = arith.index_cast %add3A_311 : i32 to index
      %swap3A_334 = arith.constant 0 : index
      %swap3A_335 = tpu.vector_load %arg11[%swap3A_333, %swap3A_334] {strides = array<i32>} : memref<240x128xi32, #tpu.memory_space<vmem>>, vector<16xi32>,
      tpu.vector_store %arg11[%swap3A_333, %swap3A_334], %select_n3A_332 {strides = array<i32>} : memref<240x128xi32, #tpu.memory_space<vmem>>, vector<16xi32>,
      %rem3A_336 = arith.constant 80 : i32
      %rem3A_337 = arith.remsi %add3A_311, %rem3A_336 : i32
      %mul3A_338 = arith.constant 128 : i32
      %mul3A_339 = arith.muli %rem3A_337, %mul3A_338 : i32
      %add3A_340 = arith.constant 16 : i32
      %add3A_341 = arith.addi %mul3A_339, %add3A_340 : i32
      %add3A_342 = vector.broadcast %add3A_341 : i32 to vector<16xi32>
      %add3A_343 = arith.addi %iota3A, %add3A_342 : vector<16xi32>
      %div3A_344 = arith.constant 20 : i32
      %div3A_345 = vector.broadcast %div3A_344 : i32 to vector<16xi32>
      %div3A_346 = arith.divsi %add3A_343, %div3A_345 : vector<16xi32>
      %get3A_347 = arith.index_cast %add3A_311 : i32 to index
      %get3A_348 = arith.constant 16 : index
      %get3A_349 = tpu.vector_load %arg11[%get3A_347, %get3A_348] {strides = array<i32>} : memref<240x128xi32, #tpu.memory_space<vmem>>, vector<16xi32>,
      %bitcast3A_350 = vector.bitcast %get3A_349 : vector<16xi32> to vector<16xf32>
      %ne3A_351 = arith.constant 0.000000e+00 : f32
      %ne3A_352 = vector.broadcast %ne3A_351 : f32 to vector<16xf32>
      %ne3A_353 = arith.cmpf one, %bitcast3A_350, %ne3A_352 : vector<16xf32>
      %add3A_354 = vector.broadcast %mul3A_2 : i32 to vector<16xi32>
      %add3A_355 = arith.addi %add3A_354, %div3A_346 : vector<16xi32>
      %select_n3A_356 = arith.select %ne3A_353, %add3A_355, %broadcast_in_dim3A_48 : vector<16xi1>, vector<16xi32>
      %swap3A_357 = arith.index_cast %add3A_311 : i32 to index
      %swap3A_358 = arith.constant 16 : index
      %swap3A_359 = tpu.vector_load %arg11[%swap3A_357, %swap3A_358] {strides = array<i32>} : memref<240x128xi32, #tpu.memory_space<vmem>>, vector<16xi32>,
      tpu.vector_store %arg11[%swap3A_357, %swap3A_358], %select_n3A_356 {strides = array<i32>} : memref<240x128xi32, #tpu.memory_space<vmem>>, vector<16xi32>,
      %rem3A_360 = arith.constant 80 : i32
      %rem3A_361 = arith.remsi %add3A_311, %rem3A_360 : i32
      %mul3A_362 = arith.constant 128 : i32
      %mul3A_363 = arith.muli %rem3A_361, %mul3A_362 : i32
      %add3A_364 = arith.constant 32 : i32
      %add3A_365 = arith.addi %mul3A_363, %add3A_364 : i32
      %add3A_366 = vector.broadcast %add3A_365 : i32 to vector<16xi32>
      %add3A_367 = arith.addi %iota3A, %add3A_366 : vector<16xi32>
      %div3A_368 = arith.constant 20 : i32
      %div3A_369 = vector.broadcast %div3A_368 : i32 to vector<16xi32>
      %div3A_370 = arith.divsi %add3A_367, %div3A_369 : vector<16xi32>
      %get3A_371 = arith.index_cast %add3A_311 : i32 to index
      %get3A_372 = arith.constant 32 : index
      %get3A_373 = tpu.vector_load %arg11[%get3A_371, %get3A_372] {strides = array<i32>} : memref<240x128xi32, #tpu.memory_space<vmem>>, vector<16xi32>,
      %bitcast3A_374 = vector.bitcast %get3A_373 : vector<16xi32> to vector<16xf32>
      %ne3A_375 = arith.constant 0.000000e+00 : f32
      %ne3A_376 = vector.broadcast %ne3A_375 : f32 to vector<16xf32>
      %ne3A_377 = arith.cmpf one, %bitcast3A_374, %ne3A_376 : vector<16xf32>
      %add3A_378 = vector.broadcast %mul3A_2 : i32 to vector<16xi32>
      %add3A_379 = arith.addi %add3A_378, %div3A_370 : vector<16xi32>
      %select_n3A_380 = arith.select %ne3A_377, %add3A_379, %broadcast_in_dim3A_48 : vector<16xi1>, vector<16xi32>
      %swap3A_381 = arith.index_cast %add3A_311 : i32 to index
      %swap3A_382 = arith.constant 32 : index
      %swap3A_383 = tpu.vector_load %arg11[%swap3A_381, %swap3A_382] {strides = array<i32>} : memref<240x128xi32, #tpu.memory_space<vmem>>, vector<16xi32>,
      tpu.vector_store %arg11[%swap3A_381, %swap3A_382], %select_n3A_380 {strides = array<i32>} : memref<240x128xi32, #tpu.memory_space<vmem>>, vector<16xi32>,
      %rem3A_384 = arith.constant 80 : i32
      %rem3A_385 = arith.remsi %add3A_311, %rem3A_384 : i32
      %mul3A_386 = arith.constant 128 : i32
      %mul3A_387 = arith.muli %rem3A_385, %mul3A_386 : i32
      %add3A_388 = arith.constant 48 : i32
      %add3A_389 = arith.addi %mul3A_387, %add3A_388 : i32
      %add3A_390 = vector.broadcast %add3A_389 : i32 to vector<16xi32>
      %add3A_391 = arith.addi %iota3A, %add3A_390 : vector<16xi32>
      %div3A_392 = arith.constant 20 : i32
      %div3A_393 = vector.broadcast %div3A_392 : i32 to vector<16xi32>
      %div3A_394 = arith.divsi %add3A_391, %div3A_393 : vector<16xi32>
      %get3A_395 = arith.index_cast %add3A_311 : i32 to index
      %get3A_396 = arith.constant 48 : index
      %get3A_397 = tpu.vector_load %arg11[%get3A_395, %get3A_396] {strides = array<i32>} : memref<240x128xi32, #tpu.memory_space<vmem>>, vector<16xi32>,
      %bitcast3A_398 = vector.bitcast %get3A_397 : vector<16xi32> to vector<16xf32>
      %ne3A_399 = arith.constant 0.000000e+00 : f32
      %ne3A_400 = vector.broadcast %ne3A_399 : f32 to vector<16xf32>
      %ne3A_401 = arith.cmpf one, %bitcast3A_398, %ne3A_400 : vector<16xf32>
      %add3A_402 = vector.broadcast %mul3A_2 : i32 to vector<16xi32>
      %add3A_403 = arith.addi %add3A_402, %div3A_394 : vector<16xi32>
      %select_n3A_404 = arith.select %ne3A_401, %add3A_403, %broadcast_in_dim3A_48 : vector<16xi1>, vector<16xi32>
      %swap3A_405 = arith.index_cast %add3A_311 : i32 to index
      %swap3A_406 = arith.constant 48 : index
      %swap3A_407 = tpu.vector_load %arg11[%swap3A_405, %swap3A_406] {strides = array<i32>} : memref<240x128xi32, #tpu.memory_space<vmem>>, vector<16xi32>,
      tpu.vector_store %arg11[%swap3A_405, %swap3A_406], %select_n3A_404 {strides = array<i32>} : memref<240x128xi32, #tpu.memory_space<vmem>>, vector<16xi32>,
      %rem3A_408 = arith.constant 80 : i32
      %rem3A_409 = arith.remsi %add3A_311, %rem3A_408 : i32
      %mul3A_410 = arith.constant 128 : i32
      %mul3A_411 = arith.muli %rem3A_409, %mul3A_410 : i32
      %add3A_412 = arith.constant 64 : i32
      %add3A_413 = arith.addi %mul3A_411, %add3A_412 : i32
      %add3A_414 = vector.broadcast %add3A_413 : i32 to vector<16xi32>
      %add3A_415 = arith.addi %iota3A, %add3A_414 : vector<16xi32>
      %div3A_416 = arith.constant 20 : i32
      %div3A_417 = vector.broadcast %div3A_416 : i32 to vector<16xi32>
      %div3A_418 = arith.divsi %add3A_415, %div3A_417 : vector<16xi32>
      %get3A_419 = arith.index_cast %add3A_311 : i32 to index
      %get3A_420 = arith.constant 64 : index
      %get3A_421 = tpu.vector_load %arg11[%get3A_419, %get3A_420] {strides = array<i32>} : memref<240x128xi32, #tpu.memory_space<vmem>>, vector<16xi32>,
      %bitcast3A_422 = vector.bitcast %get3A_421 : vector<16xi32> to vector<16xf32>
      %ne3A_423 = arith.constant 0.000000e+00 : f32
      %ne3A_424 = vector.broadcast %ne3A_423 : f32 to vector<16xf32>
      %ne3A_425 = arith.cmpf one, %bitcast3A_422, %ne3A_424 : vector<16xf32>
      %add3A_426 = vector.broadcast %mul3A_2 : i32 to vector<16xi32>
      %add3A_427 = arith.addi %add3A_426, %div3A_418 : vector<16xi32>
      %select_n3A_428 = arith.select %ne3A_425, %add3A_427, %broadcast_in_dim3A_48 : vector<16xi1>, vector<16xi32>
      %swap3A_429 = arith.index_cast %add3A_311 : i32 to index
      %swap3A_430 = arith.constant 64 : index
      %swap3A_431 = tpu.vector_load %arg11[%swap3A_429, %swap3A_430] {strides = array<i32>} : memref<240x128xi32, #tpu.memory_space<vmem>>, vector<16xi32>,
      tpu.vector_store %arg11[%swap3A_429, %swap3A_430], %select_n3A_428 {strides = array<i32>} : memref<240x128xi32, #tpu.memory_space<vmem>>, vector<16xi32>,
      %rem3A_432 = arith.constant 80 : i32
      %rem3A_433 = arith.remsi %add3A_311, %rem3A_432 : i32
      %mul3A_434 = arith.constant 128 : i32
      %mul3A_435 = arith.muli %rem3A_433, %mul3A_434 : i32
      %add3A_436 = arith.constant 80 : i32
      %add3A_437 = arith.addi %mul3A_435, %add3A_436 : i32
      %add3A_438 = vector.broadcast %add3A_437 : i32 to vector<16xi32>
      %add3A_439 = arith.addi %iota3A, %add3A_438 : vector<16xi32>
      %div3A_440 = arith.constant 20 : i32
      %div3A_441 = vector.broadcast %div3A_440 : i32 to vector<16xi32>
      %div3A_442 = arith.divsi %add3A_439, %div3A_441 : vector<16xi32>
      %get3A_443 = arith.index_cast %add3A_311 : i32 to index
      %get3A_444 = arith.constant 80 : index
      %get3A_445 = tpu.vector_load %arg11[%get3A_443, %get3A_444] {strides = array<i32>} : memref<240x128xi32, #tpu.memory_space<vmem>>, vector<16xi32>,
      %bitcast3A_446 = vector.bitcast %get3A_445 : vector<16xi32> to vector<16xf32>
      %ne3A_447 = arith.constant 0.000000e+00 : f32
      %ne3A_448 = vector.broadcast %ne3A_447 : f32 to vector<16xf32>
      %ne3A_449 = arith.cmpf one, %bitcast3A_446, %ne3A_448 : vector<16xf32>
      %add3A_450 = vector.broadcast %mul3A_2 : i32 to vector<16xi32>
      %add3A_451 = arith.addi %add3A_450, %div3A_442 : vector<16xi32>
      %select_n3A_452 = arith.select %ne3A_449, %add3A_451, %broadcast_in_dim3A_48 : vector<16xi1>, vector<16xi32>
      %swap3A_453 = arith.index_cast %add3A_311 : i32 to index
      %swap3A_454 = arith.constant 80 : index
      %swap3A_455 = tpu.vector_load %arg11[%swap3A_453, %swap3A_454] {strides = array<i32>} : memref<240x128xi32, #tpu.memory_space<vmem>>, vector<16xi32>,
      tpu.vector_store %arg11[%swap3A_453, %swap3A_454], %select_n3A_452 {strides = array<i32>} : memref<240x128xi32, #tpu.memory_space<vmem>>, vector<16xi32>,
      %rem3A_456 = arith.constant 80 : i32
      %rem3A_457 = arith.remsi %add3A_311, %rem3A_456 : i32
      %mul3A_458 = arith.constant 128 : i32
      %mul3A_459 = arith.muli %rem3A_457, %mul3A_458 : i32
      %add3A_460 = arith.constant 96 : i32
      %add3A_461 = arith.addi %mul3A_459, %add3A_460 : i32
      %add3A_462 = vector.broadcast %add3A_461 : i32 to vector<16xi32>
      %add3A_463 = arith.addi %iota3A, %add3A_462 : vector<16xi32>
      %div3A_464 = arith.constant 20 : i32
      %div3A_465 = vector.broadcast %div3A_464 : i32 to vector<16xi32>
      %div3A_466 = arith.divsi %add3A_463, %div3A_465 : vector<16xi32>
      %get3A_467 = arith.index_cast %add3A_311 : i32 to index
      %get3A_468 = arith.constant 96 : index
      %get3A_469 = tpu.vector_load %arg11[%get3A_467, %get3A_468] {strides = array<i32>} : memref<240x128xi32, #tpu.memory_space<vmem>>, vector<16xi32>,
      %bitcast3A_470 = vector.bitcast %get3A_469 : vector<16xi32> to vector<16xf32>
      %ne3A_471 = arith.constant 0.000000e+00 : f32
      %ne3A_472 = vector.broadcast %ne3A_471 : f32 to vector<16xf32>
      %ne3A_473 = arith.cmpf one, %bitcast3A_470, %ne3A_472 : vector<16xf32>
      %add3A_474 = vector.broadcast %mul3A_2 : i32 to vector<16xi32>
      %add3A_475 = arith.addi %add3A_474, %div3A_466 : vector<16xi32>
      %select_n3A_476 = arith.select %ne3A_473, %add3A_475, %broadcast_in_dim3A_48 : vector<16xi1>, vector<16xi32>
      %swap3A_477 = arith.index_cast %add3A_311 : i32 to index
      %swap3A_478 = arith.constant 96 : index
      %swap3A_479 = tpu.vector_load %arg11[%swap3A_477, %swap3A_478] {strides = array<i32>} : memref<240x128xi32, #tpu.memory_space<vmem>>, vector<16xi32>,
      tpu.vector_store %arg11[%swap3A_477, %swap3A_478], %select_n3A_476 {strides = array<i32>} : memref<240x128xi32, #tpu.memory_space<vmem>>, vector<16xi32>,
      %rem3A_480 = arith.constant 80 : i32
      %rem3A_481 = arith.remsi %add3A_311, %rem3A_480 : i32
      %mul3A_482 = arith.constant 128 : i32
      %mul3A_483 = arith.muli %rem3A_481, %mul3A_482 : i32
      %add3A_484 = arith.constant 112 : i32
      %add3A_485 = arith.addi %mul3A_483, %add3A_484 : i32
      %add3A_486 = vector.broadcast %add3A_485 : i32 to vector<16xi32>
      %add3A_487 = arith.addi %iota3A, %add3A_486 : vector<16xi32>
      %div3A_488 = arith.constant 20 : i32
      %div3A_489 = vector.broadcast %div3A_488 : i32 to vector<16xi32>
      %div3A_490 = arith.divsi %add3A_487, %div3A_489 : vector<16xi32>
      %get3A_491 = arith.index_cast %add3A_311 : i32 to index
      %get3A_492 = arith.constant 112 : index
      %get3A_493 = tpu.vector_load %arg11[%get3A_491, %get3A_492] {strides = array<i32>} : memref<240x128xi32, #tpu.memory_space<vmem>>, vector<16xi32>,
      %bitcast3A_494 = vector.bitcast %get3A_493 : vector<16xi32> to vector<16xf32>
      %ne3A_495 = arith.constant 0.000000e+00 : f32
      %ne3A_496 = vector.broadcast %ne3A_495 : f32 to vector<16xf32>
      %ne3A_497 = arith.cmpf one, %bitcast3A_494, %ne3A_496 : vector<16xf32>
      %add3A_498 = vector.broadcast %mul3A_2 : i32 to vector<16xi32>
      %add3A_499 = arith.addi %add3A_498, %div3A_490 : vector<16xi32>
      %select_n3A_500 = arith.select %ne3A_497, %add3A_499, %broadcast_in_dim3A_48 : vector<16xi1>, vector<16xi32>
      %swap3A_501 = arith.index_cast %add3A_311 : i32 to index
      %swap3A_502 = arith.constant 112 : index
      %swap3A_503 = tpu.vector_load %arg11[%swap3A_501, %swap3A_502] {strides = array<i32>} : memref<240x128xi32, #tpu.memory_space<vmem>>, vector<16xi32>,
      tpu.vector_store %arg11[%swap3A_501, %swap3A_502], %select_n3A_500 {strides = array<i32>} : memref<240x128xi32, #tpu.memory_space<vmem>>, vector<16xi32>,
      %dma_wait3A_504 = arith.constant 0 : i32
      %dma_wait3A_505 = tpu.memref_slice %arg10[%add3A_311, %dma_wait3A_504] : memref<240x128xi32, #tpu.memory_space<vmem>> -> memref<1x128xi32, #tpu.memory_space<vmem>>
      %dma_wait3A_506 = tpu.memref_squeeze %dma_wait3A_505 : memref<1x128xi32, #tpu.memory_space<vmem>> -> memref<128xi32, #tpu.memory_space<vmem>>
      %dma_wait3A_507 = arith.constant 0 : i32
      %dma_wait3A_508 = arith.constant 0 : i32
      %dma_wait3A_509 = tpu.memref_slice %arg8[%dma_wait3A_507, %dma_wait3A_508] : memref<1000000x64xf32, #tpu.memory_space<hbm>> -> memref<1000000x64xf32, #tpu.memory_space<hbm>>
      tpu.wait_indirect_dma semaphore(%arg18 : memref<!tpu.dma_semaphore, #tpu.memory_space<semaphore_mem>>) src(%dma_wait3A_509 : memref<1000000x64xf32, #tpu.memory_space<hbm>>) dst(%arg14 : memref<128x64xf32, #tpu.memory_space<vmem>>)
      %dma_start3A_510 = arith.constant 0 : i32
      %dma_start3A_511 = tpu.memref_slice %arg11[%add3A_311, %dma_start3A_510] : memref<240x128xi32, #tpu.memory_space<vmem>> -> memref<1x128xi32, #tpu.memory_space<vmem>>
      %dma_start3A_512 = tpu.memref_squeeze %dma_start3A_511 : memref<1x128xi32, #tpu.memory_space<vmem>> -> memref<128xi32, #tpu.memory_space<vmem>>
      %dma_start3A_513 = arith.constant 0 : i32
      %dma_start3A_514 = arith.constant 0 : i32
      %dma_start3A_515 = tpu.memref_slice %arg12[%dma_start3A_513, %dma_start3A_514] : memref<8320x64xf32, #tpu.memory_space<vmem_shared>> -> memref<8320x64xf32, #tpu.memory_space<vmem_shared>>
      tpu.enqueue_indirect_dma source(%arg14 : memref<128x64xf32, #tpu.memory_space<vmem>>) target(%dma_start3A_515 : memref<8320x64xf32, #tpu.memory_space<vmem_shared>>) offsets(%dma_start3A_512 : memref<128xi32, #tpu.memory_space<vmem>>) semaphore(%arg22 : memref<!tpu.dma_semaphore, #tpu.memory_space<semaphore_mem>>) {add = true}
      %mul3A_516 = arith.constant 4 : i32
      %mul3A_517 = arith.muli %scan3A_106, %mul3A_516 : i32
      %add3A_518 = arith.constant 2 : i32
      %add3A_519 = arith.addi %mul3A_517, %add3A_518 : i32
      %rem3A_520 = arith.constant 80 : i32
      %rem3A_521 = arith.remsi %add3A_519, %rem3A_520 : i32
      %mul3A_522 = arith.constant 128 : i32
      %mul3A_523 = arith.muli %rem3A_521, %mul3A_522 : i32
      %add3A_524 = arith.constant 0 : i32
      %add3A_525 = arith.addi %mul3A_523, %add3A_524 : i32
      %add3A_526 = vector.broadcast %add3A_525 : i32 to vector<16xi32>
      %add3A_527 = arith.addi %iota3A, %add3A_526 : vector<16xi32>
      %div3A_528 = arith.constant 20 : i32
      %div3A_529 = vector.broadcast %div3A_528 : i32 to vector<16xi32>
      %div3A_530 = arith.divsi %add3A_527, %div3A_529 : vector<16xi32>
      %get3A_531 = arith.index_cast %add3A_519 : i32 to index
      %get3A_532 = arith.constant 0 : index
      %get3A_533 = tpu.vector_load %arg11[%get3A_531, %get3A_532] {strides = array<i32>} : memref<240x128xi32, #tpu.memory_space<vmem>>, vector<16xi32>,
      %bitcast3A_534 = vector.bitcast %get3A_533 : vector<16xi32> to vector<16xf32>
      %ne3A_535 = arith.constant 0.000000e+00 : f32
      %ne3A_536 = vector.broadcast %ne3A_535 : f32 to vector<16xf32>
      %ne3A_537 = arith.cmpf one, %bitcast3A_534, %ne3A_536 : vector<16xf32>
      %add3A_538 = vector.broadcast %mul3A_2 : i32 to vector<16xi32>
      %add3A_539 = arith.addi %add3A_538, %div3A_530 : vector<16xi32>
      %select_n3A_540 = arith.select %ne3A_537, %add3A_539, %broadcast_in_dim3A_48 : vector<16xi1>, vector<16xi32>
      %swap3A_541 = arith.index_cast %add3A_519 : i32 to index
      %swap3A_542 = arith.constant 0 : index
      %swap3A_543 = tpu.vector_load %arg11[%swap3A_541, %swap3A_542] {strides = array<i32>} : memref<240x128xi32, #tpu.memory_space<vmem>>, vector<16xi32>,
      tpu.vector_store %arg11[%swap3A_541, %swap3A_542], %select_n3A_540 {strides = array<i32>} : memref<240x128xi32, #tpu.memory_space<vmem>>, vector<16xi32>,
      %rem3A_544 = arith.constant 80 : i32
      %rem3A_545 = arith.remsi %add3A_519, %rem3A_544 : i32
      %mul3A_546 = arith.constant 128 : i32
      %mul3A_547 = arith.muli %rem3A_545, %mul3A_546 : i32
      %add3A_548 = arith.constant 16 : i32
      %add3A_549 = arith.addi %mul3A_547, %add3A_548 : i32
      %add3A_550 = vector.broadcast %add3A_549 : i32 to vector<16xi32>
      %add3A_551 = arith.addi %iota3A, %add3A_550 : vector<16xi32>
      %div3A_552 = arith.constant 20 : i32
      %div3A_553 = vector.broadcast %div3A_552 : i32 to vector<16xi32>
      %div3A_554 = arith.divsi %add3A_551, %div3A_553 : vector<16xi32>
      %get3A_555 = arith.index_cast %add3A_519 : i32 to index
      %get3A_556 = arith.constant 16 : index
      %get3A_557 = tpu.vector_load %arg11[%get3A_555, %get3A_556] {strides = array<i32>} : memref<240x128xi32, #tpu.memory_space<vmem>>, vector<16xi32>,
      %bitcast3A_558 = vector.bitcast %get3A_557 : vector<16xi32> to vector<16xf32>
      %ne3A_559 = arith.constant 0.000000e+00 : f32
      %ne3A_560 = vector.broadcast %ne3A_559 : f32 to vector<16xf32>
      %ne3A_561 = arith.cmpf one, %bitcast3A_558, %ne3A_560 : vector<16xf32>
      %add3A_562 = vector.broadcast %mul3A_2 : i32 to vector<16xi32>
      %add3A_563 = arith.addi %add3A_562, %div3A_554 : vector<16xi32>
      %select_n3A_564 = arith.select %ne3A_561, %add3A_563, %broadcast_in_dim3A_48 : vector<16xi1>, vector<16xi32>
      %swap3A_565 = arith.index_cast %add3A_519 : i32 to index
      %swap3A_566 = arith.constant 16 : index
      %swap3A_567 = tpu.vector_load %arg11[%swap3A_565, %swap3A_566] {strides = array<i32>} : memref<240x128xi32, #tpu.memory_space<vmem>>, vector<16xi32>,
      tpu.vector_store %arg11[%swap3A_565, %swap3A_566], %select_n3A_564 {strides = array<i32>} : memref<240x128xi32, #tpu.memory_space<vmem>>, vector<16xi32>,
      %rem3A_568 = arith.constant 80 : i32
      %rem3A_569 = arith.remsi %add3A_519, %rem3A_568 : i32
      %mul3A_570 = arith.constant 128 : i32
      %mul3A_571 = arith.muli %rem3A_569, %mul3A_570 : i32
      %add3A_572 = arith.constant 32 : i32
      %add3A_573 = arith.addi %mul3A_571, %add3A_572 : i32
      %add3A_574 = vector.broadcast %add3A_573 : i32 to vector<16xi32>
      %add3A_575 = arith.addi %iota3A, %add3A_574 : vector<16xi32>
      %div3A_576 = arith.constant 20 : i32
      %div3A_577 = vector.broadcast %div3A_576 : i32 to vector<16xi32>
      %div3A_578 = arith.divsi %add3A_575, %div3A_577 : vector<16xi32>
      %get3A_579 = arith.index_cast %add3A_519 : i32 to index
      %get3A_580 = arith.constant 32 : index
      %get3A_581 = tpu.vector_load %arg11[%get3A_579, %get3A_580] {strides = array<i32>} : memref<240x128xi32, #tpu.memory_space<vmem>>, vector<16xi32>,
      %bitcast3A_582 = vector.bitcast %get3A_581 : vector<16xi32> to vector<16xf32>
      %ne3A_583 = arith.constant 0.000000e+00 : f32
      %ne3A_584 = vector.broadcast %ne3A_583 : f32 to vector<16xf32>
      %ne3A_585 = arith.cmpf one, %bitcast3A_582, %ne3A_584 : vector<16xf32>
      %add3A_586 = vector.broadcast %mul3A_2 : i32 to vector<16xi32>
      %add3A_587 = arith.addi %add3A_586, %div3A_578 : vector<16xi32>
      %select_n3A_588 = arith.select %ne3A_585, %add3A_587, %broadcast_in_dim3A_48 : vector<16xi1>, vector<16xi32>
      %swap3A_589 = arith.index_cast %add3A_519 : i32 to index
      %swap3A_590 = arith.constant 32 : index
      %swap3A_591 = tpu.vector_load %arg11[%swap3A_589, %swap3A_590] {strides = array<i32>} : memref<240x128xi32, #tpu.memory_space<vmem>>, vector<16xi32>,
      tpu.vector_store %arg11[%swap3A_589, %swap3A_590], %select_n3A_588 {strides = array<i32>} : memref<240x128xi32, #tpu.memory_space<vmem>>, vector<16xi32>,
      %rem3A_592 = arith.constant 80 : i32
      %rem3A_593 = arith.remsi %add3A_519, %rem3A_592 : i32
      %mul3A_594 = arith.constant 128 : i32
      %mul3A_595 = arith.muli %rem3A_593, %mul3A_594 : i32
      %add3A_596 = arith.constant 48 : i32
      %add3A_597 = arith.addi %mul3A_595, %add3A_596 : i32
      %add3A_598 = vector.broadcast %add3A_597 : i32 to vector<16xi32>
      %add3A_599 = arith.addi %iota3A, %add3A_598 : vector<16xi32>
      %div3A_600 = arith.constant 20 : i32
      %div3A_601 = vector.broadcast %div3A_600 : i32 to vector<16xi32>
      %div3A_602 = arith.divsi %add3A_599, %div3A_601 : vector<16xi32>
      %get3A_603 = arith.index_cast %add3A_519 : i32 to index
      %get3A_604 = arith.constant 48 : index
      %get3A_605 = tpu.vector_load %arg11[%get3A_603, %get3A_604] {strides = array<i32>} : memref<240x128xi32, #tpu.memory_space<vmem>>, vector<16xi32>,
      %bitcast3A_606 = vector.bitcast %get3A_605 : vector<16xi32> to vector<16xf32>
      %ne3A_607 = arith.constant 0.000000e+00 : f32
      %ne3A_608 = vector.broadcast %ne3A_607 : f32 to vector<16xf32>
      %ne3A_609 = arith.cmpf one, %bitcast3A_606, %ne3A_608 : vector<16xf32>
      %add3A_610 = vector.broadcast %mul3A_2 : i32 to vector<16xi32>
      %add3A_611 = arith.addi %add3A_610, %div3A_602 : vector<16xi32>
      %select_n3A_612 = arith.select %ne3A_609, %add3A_611, %broadcast_in_dim3A_48 : vector<16xi1>, vector<16xi32>
      %swap3A_613 = arith.index_cast %add3A_519 : i32 to index
      %swap3A_614 = arith.constant 48 : index
      %swap3A_615 = tpu.vector_load %arg11[%swap3A_613, %swap3A_614] {strides = array<i32>} : memref<240x128xi32, #tpu.memory_space<vmem>>, vector<16xi32>,
      tpu.vector_store %arg11[%swap3A_613, %swap3A_614], %select_n3A_612 {strides = array<i32>} : memref<240x128xi32, #tpu.memory_space<vmem>>, vector<16xi32>,
      %rem3A_616 = arith.constant 80 : i32
      %rem3A_617 = arith.remsi %add3A_519, %rem3A_616 : i32
      %mul3A_618 = arith.constant 128 : i32
      %mul3A_619 = arith.muli %rem3A_617, %mul3A_618 : i32
      %add3A_620 = arith.constant 64 : i32
      %add3A_621 = arith.addi %mul3A_619, %add3A_620 : i32
      %add3A_622 = vector.broadcast %add3A_621 : i32 to vector<16xi32>
      %add3A_623 = arith.addi %iota3A, %add3A_622 : vector<16xi32>
      %div3A_624 = arith.constant 20 : i32
      %div3A_625 = vector.broadcast %div3A_624 : i32 to vector<16xi32>
      %div3A_626 = arith.divsi %add3A_623, %div3A_625 : vector<16xi32>
      %get3A_627 = arith.index_cast %add3A_519 : i32 to index
      %get3A_628 = arith.constant 64 : index
      %get3A_629 = tpu.vector_load %arg11[%get3A_627, %get3A_628] {strides = array<i32>} : memref<240x128xi32, #tpu.memory_space<vmem>>, vector<16xi32>,
      %bitcast3A_630 = vector.bitcast %get3A_629 : vector<16xi32> to vector<16xf32>
      %ne3A_631 = arith.constant 0.000000e+00 : f32
      %ne3A_632 = vector.broadcast %ne3A_631 : f32 to vector<16xf32>
      %ne3A_633 = arith.cmpf one, %bitcast3A_630, %ne3A_632 : vector<16xf32>
      %add3A_634 = vector.broadcast %mul3A_2 : i32 to vector<16xi32>
      %add3A_635 = arith.addi %add3A_634, %div3A_626 : vector<16xi32>
      %select_n3A_636 = arith.select %ne3A_633, %add3A_635, %broadcast_in_dim3A_48 : vector<16xi1>, vector<16xi32>
      %swap3A_637 = arith.index_cast %add3A_519 : i32 to index
      %swap3A_638 = arith.constant 64 : index
      %swap3A_639 = tpu.vector_load %arg11[%swap3A_637, %swap3A_638] {strides = array<i32>} : memref<240x128xi32, #tpu.memory_space<vmem>>, vector<16xi32>,
      tpu.vector_store %arg11[%swap3A_637, %swap3A_638], %select_n3A_636 {strides = array<i32>} : memref<240x128xi32, #tpu.memory_space<vmem>>, vector<16xi32>,
      %rem3A_640 = arith.constant 80 : i32
      %rem3A_641 = arith.remsi %add3A_519, %rem3A_640 : i32
      %mul3A_642 = arith.constant 128 : i32
      %mul3A_643 = arith.muli %rem3A_641, %mul3A_642 : i32
      %add3A_644 = arith.constant 80 : i32
      %add3A_645 = arith.addi %mul3A_643, %add3A_644 : i32
      %add3A_646 = vector.broadcast %add3A_645 : i32 to vector<16xi32>
      %add3A_647 = arith.addi %iota3A, %add3A_646 : vector<16xi32>
      %div3A_648 = arith.constant 20 : i32
      %div3A_649 = vector.broadcast %div3A_648 : i32 to vector<16xi32>
      %div3A_650 = arith.divsi %add3A_647, %div3A_649 : vector<16xi32>
      %get3A_651 = arith.index_cast %add3A_519 : i32 to index
      %get3A_652 = arith.constant 80 : index
      %get3A_653 = tpu.vector_load %arg11[%get3A_651, %get3A_652] {strides = array<i32>} : memref<240x128xi32, #tpu.memory_space<vmem>>, vector<16xi32>,
      %bitcast3A_654 = vector.bitcast %get3A_653 : vector<16xi32> to vector<16xf32>
      %ne3A_655 = arith.constant 0.000000e+00 : f32
      %ne3A_656 = vector.broadcast %ne3A_655 : f32 to vector<16xf32>
      %ne3A_657 = arith.cmpf one, %bitcast3A_654, %ne3A_656 : vector<16xf32>
      %add3A_658 = vector.broadcast %mul3A_2 : i32 to vector<16xi32>
      %add3A_659 = arith.addi %add3A_658, %div3A_650 : vector<16xi32>
      %select_n3A_660 = arith.select %ne3A_657, %add3A_659, %broadcast_in_dim3A_48 : vector<16xi1>, vector<16xi32>
      %swap3A_661 = arith.index_cast %add3A_519 : i32 to index
      %swap3A_662 = arith.constant 80 : index
      %swap3A_663 = tpu.vector_load %arg11[%swap3A_661, %swap3A_662] {strides = array<i32>} : memref<240x128xi32, #tpu.memory_space<vmem>>, vector<16xi32>,
      tpu.vector_store %arg11[%swap3A_661, %swap3A_662], %select_n3A_660 {strides = array<i32>} : memref<240x128xi32, #tpu.memory_space<vmem>>, vector<16xi32>,
      %rem3A_664 = arith.constant 80 : i32
      %rem3A_665 = arith.remsi %add3A_519, %rem3A_664 : i32
      %mul3A_666 = arith.constant 128 : i32
      %mul3A_667 = arith.muli %rem3A_665, %mul3A_666 : i32
      %add3A_668 = arith.constant 96 : i32
      %add3A_669 = arith.addi %mul3A_667, %add3A_668 : i32
      %add3A_670 = vector.broadcast %add3A_669 : i32 to vector<16xi32>
      %add3A_671 = arith.addi %iota3A, %add3A_670 : vector<16xi32>
      %div3A_672 = arith.constant 20 : i32
      %div3A_673 = vector.broadcast %div3A_672 : i32 to vector<16xi32>
      %div3A_674 = arith.divsi %add3A_671, %div3A_673 : vector<16xi32>
      %get3A_675 = arith.index_cast %add3A_519 : i32 to index
      %get3A_676 = arith.constant 96 : index
      %get3A_677 = tpu.vector_load %arg11[%get3A_675, %get3A_676] {strides = array<i32>} : memref<240x128xi32, #tpu.memory_space<vmem>>, vector<16xi32>,
      %bitcast3A_678 = vector.bitcast %get3A_677 : vector<16xi32> to vector<16xf32>
      %ne3A_679 = arith.constant 0.000000e+00 : f32
      %ne3A_680 = vector.broadcast %ne3A_679 : f32 to vector<16xf32>
      %ne3A_681 = arith.cmpf one, %bitcast3A_678, %ne3A_680 : vector<16xf32>
      %add3A_682 = vector.broadcast %mul3A_2 : i32 to vector<16xi32>
      %add3A_683 = arith.addi %add3A_682, %div3A_674 : vector<16xi32>
      %select_n3A_684 = arith.select %ne3A_681, %add3A_683, %broadcast_in_dim3A_48 : vector<16xi1>, vector<16xi32>
      %swap3A_685 = arith.index_cast %add3A_519 : i32 to index
      %swap3A_686 = arith.constant 96 : index
      %swap3A_687 = tpu.vector_load %arg11[%swap3A_685, %swap3A_686] {strides = array<i32>} : memref<240x128xi32, #tpu.memory_space<vmem>>, vector<16xi32>,
      tpu.vector_store %arg11[%swap3A_685, %swap3A_686], %select_n3A_684 {strides = array<i32>} : memref<240x128xi32, #tpu.memory_space<vmem>>, vector<16xi32>,
      %rem3A_688 = arith.constant 80 : i32
      %rem3A_689 = arith.remsi %add3A_519, %rem3A_688 : i32
      %mul3A_690 = arith.constant 128 : i32
      %mul3A_691 = arith.muli %rem3A_689, %mul3A_690 : i32
      %add3A_692 = arith.constant 112 : i32
      %add3A_693 = arith.addi %mul3A_691, %add3A_692 : i32
      %add3A_694 = vector.broadcast %add3A_693 : i32 to vector<16xi32>
      %add3A_695 = arith.addi %iota3A, %add3A_694 : vector<16xi32>
      %div3A_696 = arith.constant 20 : i32
      %div3A_697 = vector.broadcast %div3A_696 : i32 to vector<16xi32>
      %div3A_698 = arith.divsi %add3A_695, %div3A_697 : vector<16xi32>
      %get3A_699 = arith.index_cast %add3A_519 : i32 to index
      %get3A_700 = arith.constant 112 : index
      %get3A_701 = tpu.vector_load %arg11[%get3A_699, %get3A_700] {strides = array<i32>} : memref<240x128xi32, #tpu.memory_space<vmem>>, vector<16xi32>,
      %bitcast3A_702 = vector.bitcast %get3A_701 : vector<16xi32> to vector<16xf32>
      %ne3A_703 = arith.constant 0.000000e+00 : f32
      %ne3A_704 = vector.broadcast %ne3A_703 : f32 to vector<16xf32>
      %ne3A_705 = arith.cmpf one, %bitcast3A_702, %ne3A_704 : vector<16xf32>
      %add3A_706 = vector.broadcast %mul3A_2 : i32 to vector<16xi32>
      %add3A_707 = arith.addi %add3A_706, %div3A_698 : vector<16xi32>
      %select_n3A_708 = arith.select %ne3A_705, %add3A_707, %broadcast_in_dim3A_48 : vector<16xi1>, vector<16xi32>
      %swap3A_709 = arith.index_cast %add3A_519 : i32 to index
      %swap3A_710 = arith.constant 112 : index
      %swap3A_711 = tpu.vector_load %arg11[%swap3A_709, %swap3A_710] {strides = array<i32>} : memref<240x128xi32, #tpu.memory_space<vmem>>, vector<16xi32>,
      tpu.vector_store %arg11[%swap3A_709, %swap3A_710], %select_n3A_708 {strides = array<i32>} : memref<240x128xi32, #tpu.memory_space<vmem>>, vector<16xi32>,
      %dma_wait3A_712 = arith.constant 0 : i32
      %dma_wait3A_713 = tpu.memref_slice %arg10[%add3A_519, %dma_wait3A_712] : memref<240x128xi32, #tpu.memory_space<vmem>> -> memref<1x128xi32, #tpu.memory_space<vmem>>
      %dma_wait3A_714 = tpu.memref_squeeze %dma_wait3A_713 : memref<1x128xi32, #tpu.memory_space<vmem>> -> memref<128xi32, #tpu.memory_space<vmem>>
      %dma_wait3A_715 = arith.constant 0 : i32
      %dma_wait3A_716 = arith.constant 0 : i32
      %dma_wait3A_717 = tpu.memref_slice %arg8[%dma_wait3A_715, %dma_wait3A_716] : memref<1000000x64xf32, #tpu.memory_space<hbm>> -> memref<1000000x64xf32, #tpu.memory_space<hbm>>
      tpu.wait_indirect_dma semaphore(%arg19 : memref<!tpu.dma_semaphore, #tpu.memory_space<semaphore_mem>>) src(%dma_wait3A_717 : memref<1000000x64xf32, #tpu.memory_space<hbm>>) dst(%arg15 : memref<128x64xf32, #tpu.memory_space<vmem>>)
      %dma_start3A_718 = arith.constant 0 : i32
      %dma_start3A_719 = tpu.memref_slice %arg11[%add3A_519, %dma_start3A_718] : memref<240x128xi32, #tpu.memory_space<vmem>> -> memref<1x128xi32, #tpu.memory_space<vmem>>
      %dma_start3A_720 = tpu.memref_squeeze %dma_start3A_719 : memref<1x128xi32, #tpu.memory_space<vmem>> -> memref<128xi32, #tpu.memory_space<vmem>>
      %dma_start3A_721 = arith.constant 0 : i32
      %dma_start3A_722 = arith.constant 0 : i32
      %dma_start3A_723 = tpu.memref_slice %arg12[%dma_start3A_721, %dma_start3A_722] : memref<8320x64xf32, #tpu.memory_space<vmem_shared>> -> memref<8320x64xf32, #tpu.memory_space<vmem_shared>>
      tpu.enqueue_indirect_dma source(%arg15 : memref<128x64xf32, #tpu.memory_space<vmem>>) target(%dma_start3A_723 : memref<8320x64xf32, #tpu.memory_space<vmem_shared>>) offsets(%dma_start3A_720 : memref<128xi32, #tpu.memory_space<vmem>>) semaphore(%arg23 : memref<!tpu.dma_semaphore, #tpu.memory_space<semaphore_mem>>) {add = true}
      %mul3A_724 = arith.constant 4 : i32
      %mul3A_725 = arith.muli %scan3A_106, %mul3A_724 : i32
      %add3A_726 = arith.constant 3 : i32
      %add3A_727 = arith.addi %mul3A_725, %add3A_726 : i32
      %rem3A_728 = arith.constant 80 : i32
      %rem3A_729 = arith.remsi %add3A_727, %rem3A_728 : i32
      %mul3A_730 = arith.constant 128 : i32
      %mul3A_731 = arith.muli %rem3A_729, %mul3A_730 : i32
      %add3A_732 = arith.constant 0 : i32
      %add3A_733 = arith.addi %mul3A_731, %add3A_732 : i32
      %add3A_734 = vector.broadcast %add3A_733 : i32 to vector<16xi32>
      %add3A_735 = arith.addi %iota3A, %add3A_734 : vector<16xi32>
      %div3A_736 = arith.constant 20 : i32
      %div3A_737 = vector.broadcast %div3A_736 : i32 to vector<16xi32>
      %div3A_738 = arith.divsi %add3A_735, %div3A_737 : vector<16xi32>
      %get3A_739 = arith.index_cast %add3A_727 : i32 to index
      %get3A_740 = arith.constant 0 : index
      %get3A_741 = tpu.vector_load %arg11[%get3A_739, %get3A_740] {strides = array<i32>} : memref<240x128xi32, #tpu.memory_space<vmem>>, vector<16xi32>,
      %bitcast3A_742 = vector.bitcast %get3A_741 : vector<16xi32> to vector<16xf32>
      %ne3A_743 = arith.constant 0.000000e+00 : f32
      %ne3A_744 = vector.broadcast %ne3A_743 : f32 to vector<16xf32>
      %ne3A_745 = arith.cmpf one, %bitcast3A_742, %ne3A_744 : vector<16xf32>
      %add3A_746 = vector.broadcast %mul3A_2 : i32 to vector<16xi32>
      %add3A_747 = arith.addi %add3A_746, %div3A_738 : vector<16xi32>
      %select_n3A_748 = arith.select %ne3A_745, %add3A_747, %broadcast_in_dim3A_48 : vector<16xi1>, vector<16xi32>
      %swap3A_749 = arith.index_cast %add3A_727 : i32 to index
      %swap3A_750 = arith.constant 0 : index
      %swap3A_751 = tpu.vector_load %arg11[%swap3A_749, %swap3A_750] {strides = array<i32>} : memref<240x128xi32, #tpu.memory_space<vmem>>, vector<16xi32>,
      tpu.vector_store %arg11[%swap3A_749, %swap3A_750], %select_n3A_748 {strides = array<i32>} : memref<240x128xi32, #tpu.memory_space<vmem>>, vector<16xi32>,
      %rem3A_752 = arith.constant 80 : i32
      %rem3A_753 = arith.remsi %add3A_727, %rem3A_752 : i32
      %mul3A_754 = arith.constant 128 : i32
      %mul3A_755 = arith.muli %rem3A_753, %mul3A_754 : i32
      %add3A_756 = arith.constant 16 : i32
      %add3A_757 = arith.addi %mul3A_755, %add3A_756 : i32
      %add3A_758 = vector.broadcast %add3A_757 : i32 to vector<16xi32>
      %add3A_759 = arith.addi %iota3A, %add3A_758 : vector<16xi32>
      %div3A_760 = arith.constant 20 : i32
      %div3A_761 = vector.broadcast %div3A_760 : i32 to vector<16xi32>
      %div3A_762 = arith.divsi %add3A_759, %div3A_761 : vector<16xi32>
      %get3A_763 = arith.index_cast %add3A_727 : i32 to index
      %get3A_764 = arith.constant 16 : index
      %get3A_765 = tpu.vector_load %arg11[%get3A_763, %get3A_764] {strides = array<i32>} : memref<240x128xi32, #tpu.memory_space<vmem>>, vector<16xi32>,
      %bitcast3A_766 = vector.bitcast %get3A_765 : vector<16xi32> to vector<16xf32>
      %ne3A_767 = arith.constant 0.000000e+00 : f32
      %ne3A_768 = vector.broadcast %ne3A_767 : f32 to vector<16xf32>
      %ne3A_769 = arith.cmpf one, %bitcast3A_766, %ne3A_768 : vector<16xf32>
      %add3A_770 = vector.broadcast %mul3A_2 : i32 to vector<16xi32>
      %add3A_771 = arith.addi %add3A_770, %div3A_762 : vector<16xi32>
      %select_n3A_772 = arith.select %ne3A_769, %add3A_771, %broadcast_in_dim3A_48 : vector<16xi1>, vector<16xi32>
      %swap3A_773 = arith.index_cast %add3A_727 : i32 to index
      %swap3A_774 = arith.constant 16 : index
      %swap3A_775 = tpu.vector_load %arg11[%swap3A_773, %swap3A_774] {strides = array<i32>} : memref<240x128xi32, #tpu.memory_space<vmem>>, vector<16xi32>,
      tpu.vector_store %arg11[%swap3A_773, %swap3A_774], %select_n3A_772 {strides = array<i32>} : memref<240x128xi32, #tpu.memory_space<vmem>>, vector<16xi32>,
      %rem3A_776 = arith.constant 80 : i32
      %rem3A_777 = arith.remsi %add3A_727, %rem3A_776 : i32
      %mul3A_778 = arith.constant 128 : i32
      %mul3A_779 = arith.muli %rem3A_777, %mul3A_778 : i32
      %add3A_780 = arith.constant 32 : i32
      %add3A_781 = arith.addi %mul3A_779, %add3A_780 : i32
      %add3A_782 = vector.broadcast %add3A_781 : i32 to vector<16xi32>
      %add3A_783 = arith.addi %iota3A, %add3A_782 : vector<16xi32>
      %div3A_784 = arith.constant 20 : i32
      %div3A_785 = vector.broadcast %div3A_784 : i32 to vector<16xi32>
      %div3A_786 = arith.divsi %add3A_783, %div3A_785 : vector<16xi32>
      %get3A_787 = arith.index_cast %add3A_727 : i32 to index
      %get3A_788 = arith.constant 32 : index
      %get3A_789 = tpu.vector_load %arg11[%get3A_787, %get3A_788] {strides = array<i32>} : memref<240x128xi32, #tpu.memory_space<vmem>>, vector<16xi32>,
      %bitcast3A_790 = vector.bitcast %get3A_789 : vector<16xi32> to vector<16xf32>
      %ne3A_791 = arith.constant 0.000000e+00 : f32
      %ne3A_792 = vector.broadcast %ne3A_791 : f32 to vector<16xf32>
      %ne3A_793 = arith.cmpf one, %bitcast3A_790, %ne3A_792 : vector<16xf32>
      %add3A_794 = vector.broadcast %mul3A_2 : i32 to vector<16xi32>
      %add3A_795 = arith.addi %add3A_794, %div3A_786 : vector<16xi32>
      %select_n3A_796 = arith.select %ne3A_793, %add3A_795, %broadcast_in_dim3A_48 : vector<16xi1>, vector<16xi32>
      %swap3A_797 = arith.index_cast %add3A_727 : i32 to index
      %swap3A_798 = arith.constant 32 : index
      %swap3A_799 = tpu.vector_load %arg11[%swap3A_797, %swap3A_798] {strides = array<i32>} : memref<240x128xi32, #tpu.memory_space<vmem>>, vector<16xi32>,
      tpu.vector_store %arg11[%swap3A_797, %swap3A_798], %select_n3A_796 {strides = array<i32>} : memref<240x128xi32, #tpu.memory_space<vmem>>, vector<16xi32>,
      %rem3A_800 = arith.constant 80 : i32
      %rem3A_801 = arith.remsi %add3A_727, %rem3A_800 : i32
      %mul3A_802 = arith.constant 128 : i32
      %mul3A_803 = arith.muli %rem3A_801, %mul3A_802 : i32
      %add3A_804 = arith.constant 48 : i32
      %add3A_805 = arith.addi %mul3A_803, %add3A_804 : i32
      %add3A_806 = vector.broadcast %add3A_805 : i32 to vector<16xi32>
      %add3A_807 = arith.addi %iota3A, %add3A_806 : vector<16xi32>
      %div3A_808 = arith.constant 20 : i32
      %div3A_809 = vector.broadcast %div3A_808 : i32 to vector<16xi32>
      %div3A_810 = arith.divsi %add3A_807, %div3A_809 : vector<16xi32>
      %get3A_811 = arith.index_cast %add3A_727 : i32 to index
      %get3A_812 = arith.constant 48 : index
      %get3A_813 = tpu.vector_load %arg11[%get3A_811, %get3A_812] {strides = array<i32>} : memref<240x128xi32, #tpu.memory_space<vmem>>, vector<16xi32>,
      %bitcast3A_814 = vector.bitcast %get3A_813 : vector<16xi32> to vector<16xf32>
      %ne3A_815 = arith.constant 0.000000e+00 : f32
      %ne3A_816 = vector.broadcast %ne3A_815 : f32 to vector<16xf32>
      %ne3A_817 = arith.cmpf one, %bitcast3A_814, %ne3A_816 : vector<16xf32>
      %add3A_818 = vector.broadcast %mul3A_2 : i32 to vector<16xi32>
      %add3A_819 = arith.addi %add3A_818, %div3A_810 : vector<16xi32>
      %select_n3A_820 = arith.select %ne3A_817, %add3A_819, %broadcast_in_dim3A_48 : vector<16xi1>, vector<16xi32>
      %swap3A_821 = arith.index_cast %add3A_727 : i32 to index
      %swap3A_822 = arith.constant 48 : index
      %swap3A_823 = tpu.vector_load %arg11[%swap3A_821, %swap3A_822] {strides = array<i32>} : memref<240x128xi32, #tpu.memory_space<vmem>>, vector<16xi32>,
      tpu.vector_store %arg11[%swap3A_821, %swap3A_822], %select_n3A_820 {strides = array<i32>} : memref<240x128xi32, #tpu.memory_space<vmem>>, vector<16xi32>,
      %rem3A_824 = arith.constant 80 : i32
      %rem3A_825 = arith.remsi %add3A_727, %rem3A_824 : i32
      %mul3A_826 = arith.constant 128 : i32
      %mul3A_827 = arith.muli %rem3A_825, %mul3A_826 : i32
      %add3A_828 = arith.constant 64 : i32
      %add3A_829 = arith.addi %mul3A_827, %add3A_828 : i32
      %add3A_830 = vector.broadcast %add3A_829 : i32 to vector<16xi32>
      %add3A_831 = arith.addi %iota3A, %add3A_830 : vector<16xi32>
      %div3A_832 = arith.constant 20 : i32
      %div3A_833 = vector.broadcast %div3A_832 : i32 to vector<16xi32>
      %div3A_834 = arith.divsi %add3A_831, %div3A_833 : vector<16xi32>
      %get3A_835 = arith.index_cast %add3A_727 : i32 to index
      %get3A_836 = arith.constant 64 : index
      %get3A_837 = tpu.vector_load %arg11[%get3A_835, %get3A_836] {strides = array<i32>} : memref<240x128xi32, #tpu.memory_space<vmem>>, vector<16xi32>,
      %bitcast3A_838 = vector.bitcast %get3A_837 : vector<16xi32> to vector<16xf32>
      %ne3A_839 = arith.constant 0.000000e+00 : f32
      %ne3A_840 = vector.broadcast %ne3A_839 : f32 to vector<16xf32>
      %ne3A_841 = arith.cmpf one, %bitcast3A_838, %ne3A_840 : vector<16xf32>
      %add3A_842 = vector.broadcast %mul3A_2 : i32 to vector<16xi32>
      %add3A_843 = arith.addi %add3A_842, %div3A_834 : vector<16xi32>
      %select_n3A_844 = arith.select %ne3A_841, %add3A_843, %broadcast_in_dim3A_48 : vector<16xi1>, vector<16xi32>
      %swap3A_845 = arith.index_cast %add3A_727 : i32 to index
      %swap3A_846 = arith.constant 64 : index
      %swap3A_847 = tpu.vector_load %arg11[%swap3A_845, %swap3A_846] {strides = array<i32>} : memref<240x128xi32, #tpu.memory_space<vmem>>, vector<16xi32>,
      tpu.vector_store %arg11[%swap3A_845, %swap3A_846], %select_n3A_844 {strides = array<i32>} : memref<240x128xi32, #tpu.memory_space<vmem>>, vector<16xi32>,
      %rem3A_848 = arith.constant 80 : i32
      %rem3A_849 = arith.remsi %add3A_727, %rem3A_848 : i32
      %mul3A_850 = arith.constant 128 : i32
      %mul3A_851 = arith.muli %rem3A_849, %mul3A_850 : i32
      %add3A_852 = arith.constant 80 : i32
      %add3A_853 = arith.addi %mul3A_851, %add3A_852 : i32
      %add3A_854 = vector.broadcast %add3A_853 : i32 to vector<16xi32>
      %add3A_855 = arith.addi %iota3A, %add3A_854 : vector<16xi32>
      %div3A_856 = arith.constant 20 : i32
      %div3A_857 = vector.broadcast %div3A_856 : i32 to vector<16xi32>
      %div3A_858 = arith.divsi %add3A_855, %div3A_857 : vector<16xi32>
      %get3A_859 = arith.index_cast %add3A_727 : i32 to index
      %get3A_860 = arith.constant 80 : index
      %get3A_861 = tpu.vector_load %arg11[%get3A_859, %get3A_860] {strides = array<i32>} : memref<240x128xi32, #tpu.memory_space<vmem>>, vector<16xi32>,
      %bitcast3A_862 = vector.bitcast %get3A_861 : vector<16xi32> to vector<16xf32>
      %ne3A_863 = arith.constant 0.000000e+00 : f32
      %ne3A_864 = vector.broadcast %ne3A_863 : f32 to vector<16xf32>
      %ne3A_865 = arith.cmpf one, %bitcast3A_862, %ne3A_864 : vector<16xf32>
      %add3A_866 = vector.broadcast %mul3A_2 : i32 to vector<16xi32>
      %add3A_867 = arith.addi %add3A_866, %div3A_858 : vector<16xi32>
      %select_n3A_868 = arith.select %ne3A_865, %add3A_867, %broadcast_in_dim3A_48 : vector<16xi1>, vector<16xi32>
      %swap3A_869 = arith.index_cast %add3A_727 : i32 to index
      %swap3A_870 = arith.constant 80 : index
      %swap3A_871 = tpu.vector_load %arg11[%swap3A_869, %swap3A_870] {strides = array<i32>} : memref<240x128xi32, #tpu.memory_space<vmem>>, vector<16xi32>,
      tpu.vector_store %arg11[%swap3A_869, %swap3A_870], %select_n3A_868 {strides = array<i32>} : memref<240x128xi32, #tpu.memory_space<vmem>>, vector<16xi32>,
      %rem3A_872 = arith.constant 80 : i32
      %rem3A_873 = arith.remsi %add3A_727, %rem3A_872 : i32
      %mul3A_874 = arith.constant 128 : i32
      %mul3A_875 = arith.muli %rem3A_873, %mul3A_874 : i32
      %add3A_876 = arith.constant 96 : i32
      %add3A_877 = arith.addi %mul3A_875, %add3A_876 : i32
      %add3A_878 = vector.broadcast %add3A_877 : i32 to vector<16xi32>
      %add3A_879 = arith.addi %iota3A, %add3A_878 : vector<16xi32>
      %div3A_880 = arith.constant 20 : i32
      %div3A_881 = vector.broadcast %div3A_880 : i32 to vector<16xi32>
      %div3A_882 = arith.divsi %add3A_879, %div3A_881 : vector<16xi32>
      %get3A_883 = arith.index_cast %add3A_727 : i32 to index
      %get3A_884 = arith.constant 96 : index
      %get3A_885 = tpu.vector_load %arg11[%get3A_883, %get3A_884] {strides = array<i32>} : memref<240x128xi32, #tpu.memory_space<vmem>>, vector<16xi32>,
      %bitcast3A_886 = vector.bitcast %get3A_885 : vector<16xi32> to vector<16xf32>
      %ne3A_887 = arith.constant 0.000000e+00 : f32
      %ne3A_888 = vector.broadcast %ne3A_887 : f32 to vector<16xf32>
      %ne3A_889 = arith.cmpf one, %bitcast3A_886, %ne3A_888 : vector<16xf32>
      %add3A_890 = vector.broadcast %mul3A_2 : i32 to vector<16xi32>
      %add3A_891 = arith.addi %add3A_890, %div3A_882 : vector<16xi32>
      %select_n3A_892 = arith.select %ne3A_889, %add3A_891, %broadcast_in_dim3A_48 : vector<16xi1>, vector<16xi32>
      %swap3A_893 = arith.index_cast %add3A_727 : i32 to index
      %swap3A_894 = arith.constant 96 : index
      %swap3A_895 = tpu.vector_load %arg11[%swap3A_893, %swap3A_894] {strides = array<i32>} : memref<240x128xi32, #tpu.memory_space<vmem>>, vector<16xi32>,
      tpu.vector_store %arg11[%swap3A_893, %swap3A_894], %select_n3A_892 {strides = array<i32>} : memref<240x128xi32, #tpu.memory_space<vmem>>, vector<16xi32>,
      %rem3A_896 = arith.constant 80 : i32
      %rem3A_897 = arith.remsi %add3A_727, %rem3A_896 : i32
      %mul3A_898 = arith.constant 128 : i32
      %mul3A_899 = arith.muli %rem3A_897, %mul3A_898 : i32
      %add3A_900 = arith.constant 112 : i32
      %add3A_901 = arith.addi %mul3A_899, %add3A_900 : i32
      %add3A_902 = vector.broadcast %add3A_901 : i32 to vector<16xi32>
      %add3A_903 = arith.addi %iota3A, %add3A_902 : vector<16xi32>
      %div3A_904 = arith.constant 20 : i32
      %div3A_905 = vector.broadcast %div3A_904 : i32 to vector<16xi32>
      %div3A_906 = arith.divsi %add3A_903, %div3A_905 : vector<16xi32>
      %get3A_907 = arith.index_cast %add3A_727 : i32 to index
      %get3A_908 = arith.constant 112 : index
      %get3A_909 = tpu.vector_load %arg11[%get3A_907, %get3A_908] {strides = array<i32>} : memref<240x128xi32, #tpu.memory_space<vmem>>, vector<16xi32>,
      %bitcast3A_910 = vector.bitcast %get3A_909 : vector<16xi32> to vector<16xf32>
      %ne3A_911 = arith.constant 0.000000e+00 : f32
      %ne3A_912 = vector.broadcast %ne3A_911 : f32 to vector<16xf32>
      %ne3A_913 = arith.cmpf one, %bitcast3A_910, %ne3A_912 : vector<16xf32>
      %add3A_914 = vector.broadcast %mul3A_2 : i32 to vector<16xi32>
      %add3A_915 = arith.addi %add3A_914, %div3A_906 : vector<16xi32>
      %select_n3A_916 = arith.select %ne3A_913, %add3A_915, %broadcast_in_dim3A_48 : vector<16xi1>, vector<16xi32>
      %swap3A_917 = arith.index_cast %add3A_727 : i32 to index
      %swap3A_918 = arith.constant 112 : index
      %swap3A_919 = tpu.vector_load %arg11[%swap3A_917, %swap3A_918] {strides = array<i32>} : memref<240x128xi32, #tpu.memory_space<vmem>>, vector<16xi32>,
      tpu.vector_store %arg11[%swap3A_917, %swap3A_918], %select_n3A_916 {strides = array<i32>} : memref<240x128xi32, #tpu.memory_space<vmem>>, vector<16xi32>,
      %dma_wait3A_920 = arith.constant 0 : i32
      %dma_wait3A_921 = tpu.memref_slice %arg10[%add3A_727, %dma_wait3A_920] : memref<240x128xi32, #tpu.memory_space<vmem>> -> memref<1x128xi32, #tpu.memory_space<vmem>>
      %dma_wait3A_922 = tpu.memref_squeeze %dma_wait3A_921 : memref<1x128xi32, #tpu.memory_space<vmem>> -> memref<128xi32, #tpu.memory_space<vmem>>
      %dma_wait3A_923 = arith.constant 0 : i32
      %dma_wait3A_924 = arith.constant 0 : i32
      %dma_wait3A_925 = tpu.memref_slice %arg8[%dma_wait3A_923, %dma_wait3A_924] : memref<1000000x64xf32, #tpu.memory_space<hbm>> -> memref<1000000x64xf32, #tpu.memory_space<hbm>>
      tpu.wait_indirect_dma semaphore(%arg20 : memref<!tpu.dma_semaphore, #tpu.memory_space<semaphore_mem>>) src(%dma_wait3A_925 : memref<1000000x64xf32, #tpu.memory_space<hbm>>) dst(%arg16 : memref<128x64xf32, #tpu.memory_space<vmem>>)
      %dma_start3A_926 = arith.constant 0 : i32
      %dma_start3A_927 = tpu.memref_slice %arg11[%add3A_727, %dma_start3A_926] : memref<240x128xi32, #tpu.memory_space<vmem>> -> memref<1x128xi32, #tpu.memory_space<vmem>>
      %dma_start3A_928 = tpu.memref_squeeze %dma_start3A_927 : memref<1x128xi32, #tpu.memory_space<vmem>> -> memref<128xi32, #tpu.memory_space<vmem>>
      %dma_start3A_929 = arith.constant 0 : i32
      %dma_start3A_930 = arith.constant 0 : i32
      %dma_start3A_931 = tpu.memref_slice %arg12[%dma_start3A_929, %dma_start3A_930] : memref<8320x64xf32, #tpu.memory_space<vmem_shared>> -> memref<8320x64xf32, #tpu.memory_space<vmem_shared>>
      tpu.enqueue_indirect_dma source(%arg16 : memref<128x64xf32, #tpu.memory_space<vmem>>) target(%dma_start3A_931 : memref<8320x64xf32, #tpu.memory_space<vmem_shared>>) offsets(%dma_start3A_928 : memref<128xi32, #tpu.memory_space<vmem>>) semaphore(%arg24 : memref<!tpu.dma_semaphore, #tpu.memory_space<semaphore_mem>>) {add = true}
      %lt3A = arith.constant 59 : i32
      %lt3A_932 = arith.cmpi slt, %scan3A_106, %lt3A : i32
      %convert_element_type3A = arith.extui %lt3A_932 : i1 to i32
      %cond3A = arith.constant 0 : i32
      %cond3A_933 = arith.cmpi ne, %convert_element_type3A, %cond3A : i32
      scf.if %cond3A_933 {
        %add3A_934 = arith.constant 1 : i32
        %add3A_935 = arith.addi %scan3A_106, %add3A_934 : i32
        %mul3A_936 = arith.constant 4 : i32
        %mul3A_937 = arith.muli %add3A_935, %mul3A_936 : i32
        %add3A_938 = arith.constant 0 : i32
        %add3A_939 = arith.addi %mul3A_937, %add3A_938 : i32
        %dma_wait3A_940 = arith.constant 0 : i32
        %dma_wait3A_941 = tpu.memref_slice %arg11[%add3A_939, %dma_wait3A_940] : memref<240x128xi32, #tpu.memory_space<vmem>> -> memref<1x128xi32, #tpu.memory_space<vmem>>
        %dma_wait3A_942 = tpu.memref_squeeze %dma_wait3A_941 : memref<1x128xi32, #tpu.memory_space<vmem>> -> memref<128xi32, #tpu.memory_space<vmem>>
        %dma_wait3A_943 = arith.constant 0 : i32
        %dma_wait3A_944 = arith.constant 0 : i32
        %dma_wait3A_945 = tpu.memref_slice %arg12[%dma_wait3A_943, %dma_wait3A_944] : memref<8320x64xf32, #tpu.memory_space<vmem_shared>> -> memref<8320x64xf32, #tpu.memory_space<vmem_shared>>
        tpu.wait_indirect_dma semaphore(%arg21 : memref<!tpu.dma_semaphore, #tpu.memory_space<semaphore_mem>>) src(%arg13 : memref<128x64xf32, #tpu.memory_space<vmem>>) dst(%dma_wait3A_945 : memref<8320x64xf32, #tpu.memory_space<vmem_shared>>)
        %dma_start3A_946 = arith.constant 0 : i32
        %dma_start3A_947 = tpu.memref_slice %arg10[%add3A_939, %dma_start3A_946] : memref<240x128xi32, #tpu.memory_space<vmem>> -> memref<1x128xi32, #tpu.memory_space<vmem>>
        %dma_start3A_948 = tpu.memref_squeeze %dma_start3A_947 : memref<1x128xi32, #tpu.memory_space<vmem>> -> memref<128xi32, #tpu.memory_space<vmem>>
        %dma_start3A_949 = arith.constant 0 : i32
        %dma_start3A_950 = arith.constant 0 : i32
        %dma_start3A_951 = tpu.memref_slice %arg8[%dma_start3A_949, %dma_start3A_950] : memref<1000000x64xf32, #tpu.memory_space<hbm>> -> memref<1000000x64xf32, #tpu.memory_space<hbm>>
        tpu.enqueue_indirect_dma source(%dma_start3A_951 : memref<1000000x64xf32, #tpu.memory_space<hbm>>) target(%arg13 : memref<128x64xf32, #tpu.memory_space<vmem>>) offsets(%dma_start3A_948 : memref<128xi32, #tpu.memory_space<vmem>>) semaphore(%arg17 : memref<!tpu.dma_semaphore, #tpu.memory_space<semaphore_mem>>)
        %add3A_952 = arith.constant 1 : i32
        %add3A_953 = arith.addi %scan3A_106, %add3A_952 : i32
        %mul3A_954 = arith.constant 4 : i32
        %mul3A_955 = arith.muli %add3A_953, %mul3A_954 : i32
        %add3A_956 = arith.constant 1 : i32
        %add3A_957 = arith.addi %mul3A_955, %add3A_956 : i32
        %dma_wait3A_958 = arith.constant 0 : i32
        %dma_wait3A_959 = tpu.memref_slice %arg11[%add3A_957, %dma_wait3A_958] : memref<240x128xi32, #tpu.memory_space<vmem>> -> memref<1x128xi32, #tpu.memory_space<vmem>>
        %dma_wait3A_960 = tpu.memref_squeeze %dma_wait3A_959 : memref<1x128xi32, #tpu.memory_space<vmem>> -> memref<128xi32, #tpu.memory_space<vmem>>
        %dma_wait3A_961 = arith.constant 0 : i32
        %dma_wait3A_962 = arith.constant 0 : i32
        %dma_wait3A_963 = tpu.memref_slice %arg12[%dma_wait3A_961, %dma_wait3A_962] : memref<8320x64xf32, #tpu.memory_space<vmem_shared>> -> memref<8320x64xf32, #tpu.memory_space<vmem_shared>>
        tpu.wait_indirect_dma semaphore(%arg22 : memref<!tpu.dma_semaphore, #tpu.memory_space<semaphore_mem>>) src(%arg14 : memref<128x64xf32, #tpu.memory_space<vmem>>) dst(%dma_wait3A_963 : memref<8320x64xf32, #tpu.memory_space<vmem_shared>>)
        %dma_start3A_964 = arith.constant 0 : i32
        %dma_start3A_965 = tpu.memref_slice %arg10[%add3A_957, %dma_start3A_964] : memref<240x128xi32, #tpu.memory_space<vmem>> -> memref<1x128xi32, #tpu.memory_space<vmem>>
        %dma_start3A_966 = tpu.memref_squeeze %dma_start3A_965 : memref<1x128xi32, #tpu.memory_space<vmem>> -> memref<128xi32, #tpu.memory_space<vmem>>
        %dma_start3A_967 = arith.constant 0 : i32
        %dma_start3A_968 = arith.constant 0 : i32
        %dma_start3A_969 = tpu.memref_slice %arg8[%dma_start3A_967, %dma_start3A_968] : memref<1000000x64xf32, #tpu.memory_space<hbm>> -> memref<1000000x64xf32, #tpu.memory_space<hbm>>
        tpu.enqueue_indirect_dma source(%dma_start3A_969 : memref<1000000x64xf32, #tpu.memory_space<hbm>>) target(%arg14 : memref<128x64xf32, #tpu.memory_space<vmem>>) offsets(%dma_start3A_966 : memref<128xi32, #tpu.memory_space<vmem>>) semaphore(%arg18 : memref<!tpu.dma_semaphore, #tpu.memory_space<semaphore_mem>>)
        %add3A_970 = arith.constant 1 : i32
        %add3A_971 = arith.addi %scan3A_106, %add3A_970 : i32
        %mul3A_972 = arith.constant 4 : i32
        %mul3A_973 = arith.muli %add3A_971, %mul3A_972 : i32
        %add3A_974 = arith.constant 2 : i32
        %add3A_975 = arith.addi %mul3A_973, %add3A_974 : i32
        %dma_wait3A_976 = arith.constant 0 : i32
        %dma_wait3A_977 = tpu.memref_slice %arg11[%add3A_975, %dma_wait3A_976] : memref<240x128xi32, #tpu.memory_space<vmem>> -> memref<1x128xi32, #tpu.memory_space<vmem>>
        %dma_wait3A_978 = tpu.memref_squeeze %dma_wait3A_977 : memref<1x128xi32, #tpu.memory_space<vmem>> -> memref<128xi32, #tpu.memory_space<vmem>>
        %dma_wait3A_979 = arith.constant 0 : i32
        %dma_wait3A_980 = arith.constant 0 : i32
        %dma_wait3A_981 = tpu.memref_slice %arg12[%dma_wait3A_979, %dma_wait3A_980] : memref<8320x64xf32, #tpu.memory_space<vmem_shared>> -> memref<8320x64xf32, #tpu.memory_space<vmem_shared>>
        tpu.wait_indirect_dma semaphore(%arg23 : memref<!tpu.dma_semaphore, #tpu.memory_space<semaphore_mem>>) src(%arg15 : memref<128x64xf32, #tpu.memory_space<vmem>>) dst(%dma_wait3A_981 : memref<8320x64xf32, #tpu.memory_space<vmem_shared>>)
        %dma_start3A_982 = arith.constant 0 : i32
        %dma_start3A_983 = tpu.memref_slice %arg10[%add3A_975, %dma_start3A_982] : memref<240x128xi32, #tpu.memory_space<vmem>> -> memref<1x128xi32, #tpu.memory_space<vmem>>
        %dma_start3A_984 = tpu.memref_squeeze %dma_start3A_983 : memref<1x128xi32, #tpu.memory_space<vmem>> -> memref<128xi32, #tpu.memory_space<vmem>>
        %dma_start3A_985 = arith.constant 0 : i32
        %dma_start3A_986 = arith.constant 0 : i32
        %dma_start3A_987 = tpu.memref_slice %arg8[%dma_start3A_985, %dma_start3A_986] : memref<1000000x64xf32, #tpu.memory_space<hbm>> -> memref<1000000x64xf32, #tpu.memory_space<hbm>>
        tpu.enqueue_indirect_dma source(%dma_start3A_987 : memref<1000000x64xf32, #tpu.memory_space<hbm>>) target(%arg15 : memref<128x64xf32, #tpu.memory_space<vmem>>) offsets(%dma_start3A_984 : memref<128xi32, #tpu.memory_space<vmem>>) semaphore(%arg19 : memref<!tpu.dma_semaphore, #tpu.memory_space<semaphore_mem>>)
        %add3A_988 = arith.constant 1 : i32
        %add3A_989 = arith.addi %scan3A_106, %add3A_988 : i32
        %mul3A_990 = arith.constant 4 : i32
        %mul3A_991 = arith.muli %add3A_989, %mul3A_990 : i32
        %add3A_992 = arith.constant 3 : i32
        %add3A_993 = arith.addi %mul3A_991, %add3A_992 : i32
        %dma_wait3A_994 = arith.constant 0 : i32
        %dma_wait3A_995 = tpu.memref_slice %arg11[%add3A_993, %dma_wait3A_994] : memref<240x128xi32, #tpu.memory_space<vmem>> -> memref<1x128xi32, #tpu.memory_space<vmem>>
        %dma_wait3A_996 = tpu.memref_squeeze %dma_wait3A_995 : memref<1x128xi32, #tpu.memory_space<vmem>> -> memref<128xi32, #tpu.memory_space<vmem>>
        %dma_wait3A_997 = arith.constant 0 : i32
        %dma_wait3A_998 = arith.constant 0 : i32
        %dma_wait3A_999 = tpu.memref_slice %arg12[%dma_wait3A_997, %dma_wait3A_998] : memref<8320x64xf32, #tpu.memory_space<vmem_shared>> -> memref<8320x64xf32, #tpu.memory_space<vmem_shared>>
        tpu.wait_indirect_dma semaphore(%arg24 : memref<!tpu.dma_semaphore, #tpu.memory_space<semaphore_mem>>) src(%arg16 : memref<128x64xf32, #tpu.memory_space<vmem>>) dst(%dma_wait3A_999 : memref<8320x64xf32, #tpu.memory_space<vmem_shared>>)
        %dma_start3A_1000 = arith.constant 0 : i32
        %dma_start3A_1001 = tpu.memref_slice %arg10[%add3A_993, %dma_start3A_1000] : memref<240x128xi32, #tpu.memory_space<vmem>> -> memref<1x128xi32, #tpu.memory_space<vmem>>
        %dma_start3A_1002 = tpu.memref_squeeze %dma_start3A_1001 : memref<1x128xi32, #tpu.memory_space<vmem>> -> memref<128xi32, #tpu.memory_space<vmem>>
        %dma_start3A_1003 = arith.constant 0 : i32
        %dma_start3A_1004 = arith.constant 0 : i32
        %dma_start3A_1005 = tpu.memref_slice %arg8[%dma_start3A_1003, %dma_start3A_1004] : memref<1000000x64xf32, #tpu.memory_space<hbm>> -> memref<1000000x64xf32, #tpu.memory_space<hbm>>
        tpu.enqueue_indirect_dma source(%dma_start3A_1005 : memref<1000000x64xf32, #tpu.memory_space<hbm>>) target(%arg16 : memref<128x64xf32, #tpu.memory_space<vmem>>) offsets(%dma_start3A_1002 : memref<128xi32, #tpu.memory_space<vmem>>) semaphore(%arg20 : memref<!tpu.dma_semaphore, #tpu.memory_space<semaphore_mem>>)
      } else {
      }
    }
    %scan3A_54 = arith.constant 60 : i32
    %dma_wait3A = arith.constant 236 : i32
    %dma_wait3A_55 = arith.constant 0 : i32
    %dma_wait3A_56 = tpu.memref_slice %arg11[%dma_wait3A, %dma_wait3A_55] : memref<240x128xi32, #tpu.memory_space<vmem>> -> memref<1x128xi32, #tpu.memory_space<vmem>>
    %dma_wait3A_57 = tpu.memref_squeeze %dma_wait3A_56 : memref<1x128xi32, #tpu.memory_space<vmem>> -> memref<128xi32, #tpu.memory_space<vmem>>
    %dma_wait3A_58 = arith.constant 0 : i32
    %dma_wait3A_59 = arith.constant 0 : i32
    %dma_wait3A_60 = tpu.memref_slice %arg12[%dma_wait3A_58, %dma_wait3A_59] : memref<8320x64xf32, #tpu.memory_space<vmem_shared>> -> memref<8320x64xf32, #tpu.memory_space<vmem_shared>>
    tpu.wait_indirect_dma semaphore(%arg21 : memref<!tpu.dma_semaphore, #tpu.memory_space<semaphore_mem>>) src(%arg13 : memref<128x64xf32, #tpu.memory_space<vmem>>) dst(%dma_wait3A_60 : memref<8320x64xf32, #tpu.memory_space<vmem_shared>>)
    %dma_wait3A_61 = arith.constant 237 : i32
    %dma_wait3A_62 = arith.constant 0 : i32
    %dma_wait3A_63 = tpu.memref_slice %arg11[%dma_wait3A_61, %dma_wait3A_62] : memref<240x128xi32, #tpu.memory_space<vmem>> -> memref<1x128xi32, #tpu.memory_space<vmem>>
    %dma_wait3A_64 = tpu.memref_squeeze %dma_wait3A_63 : memref<1x128xi32, #tpu.memory_space<vmem>> -> memref<128xi32, #tpu.memory_space<vmem>>
    %dma_wait3A_65 = arith.constant 0 : i32
    %dma_wait3A_66 = arith.constant 0 : i32
    %dma_wait3A_67 = tpu.memref_slice %arg12[%dma_wait3A_65, %dma_wait3A_66] : memref<8320x64xf32, #tpu.memory_space<vmem_shared>> -> memref<8320x64xf32, #tpu.memory_space<vmem_shared>>
    tpu.wait_indirect_dma semaphore(%arg22 : memref<!tpu.dma_semaphore, #tpu.memory_space<semaphore_mem>>) src(%arg14 : memref<128x64xf32, #tpu.memory_space<vmem>>) dst(%dma_wait3A_67 : memref<8320x64xf32, #tpu.memory_space<vmem_shared>>)
    %dma_wait3A_68 = arith.constant 238 : i32
    %dma_wait3A_69 = arith.constant 0 : i32
    %dma_wait3A_70 = tpu.memref_slice %arg11[%dma_wait3A_68, %dma_wait3A_69] : memref<240x128xi32, #tpu.memory_space<vmem>> -> memref<1x128xi32, #tpu.memory_space<vmem>>
    %dma_wait3A_71 = tpu.memref_squeeze %dma_wait3A_70 : memref<1x128xi32, #tpu.memory_space<vmem>> -> memref<128xi32, #tpu.memory_space<vmem>>
    %dma_wait3A_72 = arith.constant 0 : i32
    %dma_wait3A_73 = arith.constant 0 : i32
    %dma_wait3A_74 = tpu.memref_slice %arg12[%dma_wait3A_72, %dma_wait3A_73] : memref<8320x64xf32, #tpu.memory_space<vmem_shared>> -> memref<8320x64xf32, #tpu.memory_space<vmem_shared>>
    tpu.wait_indirect_dma semaphore(%arg23 : memref<!tpu.dma_semaphore, #tpu.memory_space<semaphore_mem>>) src(%arg15 : memref<128x64xf32, #tpu.memory_space<vmem>>) dst(%dma_wait3A_74 : memref<8320x64xf32, #tpu.memory_space<vmem_shared>>)
    %dma_wait3A_75 = arith.constant 239 : i32
    %dma_wait3A_76 = arith.constant 0 : i32
    %dma_wait3A_77 = tpu.memref_slice %arg11[%dma_wait3A_75, %dma_wait3A_76] : memref<240x128xi32, #tpu.memory_space<vmem>> -> memref<1x128xi32, #tpu.memory_space<vmem>>
    %dma_wait3A_78 = tpu.memref_squeeze %dma_wait3A_77 : memref<1x128xi32, #tpu.memory_space<vmem>> -> memref<128xi32, #tpu.memory_space<vmem>>
    %dma_wait3A_79 = arith.constant 0 : i32
    %dma_wait3A_80 = arith.constant 0 : i32
    %dma_wait3A_81 = tpu.memref_slice %arg12[%dma_wait3A_79, %dma_wait3A_80] : memref<8320x64xf32, #tpu.memory_space<vmem_shared>> -> memref<8320x64xf32, #tpu.memory_space<vmem_shared>>
    tpu.wait_indirect_dma semaphore(%arg24 : memref<!tpu.dma_semaphore, #tpu.memory_space<semaphore_mem>>) src(%arg16 : memref<128x64xf32, #tpu.memory_space<vmem>>) dst(%dma_wait3A_81 : memref<8320x64xf32, #tpu.memory_space<vmem_shared>>)
    %add3A_82 = arith.constant 0 : i32
    %add3A_83 = arith.addi %mul3A_2, %add3A_82 : i32
    "tpu.region"() ({
      %run_scoped3A = tpu.sem_alloc : memref<!tpu.dma_semaphore, #tpu.memory_space<semaphore_mem>>
      %dma_start3A_106 = arith.constant 0 : i32
      %dma_start3A_107 = tpu.memref_slice %arg12[%add3A_83, %dma_start3A_106] : memref<8320x64xf32, #tpu.memory_space<vmem_shared>> -> memref<128x64xf32, #tpu.memory_space<vmem_shared>>
      %dma_start3A_108 = arith.constant 0 : i32
      %dma_start3A_109 = tpu.memref_slice %arg12[%add3A_83, %dma_start3A_108] : memref<8320x64xf32, #tpu.memory_space<vmem_shared>> -> memref<128x64xf32, #tpu.memory_space<vmem_shared>>
      tpu.enqueue_dma source(%dma_start3A_109 : memref<128x64xf32, #tpu.memory_space<vmem_shared>>) target(%arg13 : memref<128x64xf32, #tpu.memory_space<vmem>>) target_semaphore(%run_scoped3A : memref<!tpu.dma_semaphore, #tpu.memory_space<semaphore_mem>>)
      %dma_wait3A_110 = arith.constant 0 : i32
      %dma_wait3A_111 = tpu.memref_slice %arg12[%add3A_83, %dma_wait3A_110] : memref<8320x64xf32, #tpu.memory_space<vmem_shared>> -> memref<128x64xf32, #tpu.memory_space<vmem_shared>>
      %dma_wait3A_112 = arith.constant 0 : i32
      %dma_wait3A_113 = tpu.memref_slice %arg12[%add3A_83, %dma_wait3A_112] : memref<8320x64xf32, #tpu.memory_space<vmem_shared>> -> memref<128x64xf32, #tpu.memory_space<vmem_shared>>
      tpu.wait_dma2 semaphore(%run_scoped3A : memref<!tpu.dma_semaphore, #tpu.memory_space<semaphore_mem>>) src(%dma_wait3A_113 : memref<128x64xf32, #tpu.memory_space<vmem_shared>>) dst(%arg13 : memref<128x64xf32, #tpu.memory_space<vmem>>)
      tpu.yield
    }) : () -> ()
    %mul3A_84 = arith.constant 512 : i32
    %mul3A_85 = arith.muli %add3A, %mul3A_84 : i32
    %add3A_86 = arith.constant 0 : i32
    %add3A_87 = arith.addi %mul3A_85, %add3A_86 : i32
    "tpu.region"() ({
      %run_scoped3A = tpu.sem_alloc : memref<!tpu.dma_semaphore, #tpu.memory_space<semaphore_mem>>
      %dma_start3A_106 = arith.constant 0 : i32
      %dma_start3A_107 = tpu.memref_slice %arg9[%add3A_87, %dma_start3A_106] : memref<16384x64xf32, #tpu.memory_space<hbm>> -> memref<128x64xf32, #tpu.memory_space<hbm>>
      %dma_start3A_108 = arith.constant 0 : i32
      %dma_start3A_109 = tpu.memref_slice %arg9[%add3A_87, %dma_start3A_108] : memref<16384x64xf32, #tpu.memory_space<hbm>> -> memref<128x64xf32, #tpu.memory_space<hbm>>
      tpu.enqueue_dma source(%arg13 : memref<128x64xf32, #tpu.memory_space<vmem>>) target(%dma_start3A_109 : memref<128x64xf32, #tpu.memory_space<hbm>>) target_semaphore(%run_scoped3A : memref<!tpu.dma_semaphore, #tpu.memory_space<semaphore_mem>>)
      %dma_wait3A_110 = arith.constant 0 : i32
      %dma_wait3A_111 = tpu.memref_slice %arg9[%add3A_87, %dma_wait3A_110] : memref<16384x64xf32, #tpu.memory_space<hbm>> -> memref<128x64xf32, #tpu.memory_space<hbm>>
      %dma_wait3A_112 = arith.constant 0 : i32
      %dma_wait3A_113 = tpu.memref_slice %arg9[%add3A_87, %dma_wait3A_112] : memref<16384x64xf32, #tpu.memory_space<hbm>> -> memref<128x64xf32, #tpu.memory_space<hbm>>
      tpu.wait_dma2 semaphore(%run_scoped3A : memref<!tpu.dma_semaphore, #tpu.memory_space<semaphore_mem>>) src(%arg13 : memref<128x64xf32, #tpu.memory_space<vmem>>) dst(%dma_wait3A_113 : memref<128x64xf32, #tpu.memory_space<hbm>>)
      tpu.yield
    }) : () -> ()
    %add3A_88 = arith.constant 128 : i32
    %add3A_89 = arith.addi %mul3A_2, %add3A_88 : i32
    "tpu.region"() ({
      %run_scoped3A = tpu.sem_alloc : memref<!tpu.dma_semaphore, #tpu.memory_space<semaphore_mem>>
      %dma_start3A_106 = arith.constant 0 : i32
      %dma_start3A_107 = tpu.memref_slice %arg12[%add3A_89, %dma_start3A_106] : memref<8320x64xf32, #tpu.memory_space<vmem_shared>> -> memref<128x64xf32, #tpu.memory_space<vmem_shared>>
      %dma_start3A_108 = arith.constant 0 : i32
      %dma_start3A_109 = tpu.memref_slice %arg12[%add3A_89, %dma_start3A_108] : memref<8320x64xf32, #tpu.memory_space<vmem_shared>> -> memref<128x64xf32, #tpu.memory_space<vmem_shared>>
      tpu.enqueue_dma source(%dma_start3A_109 : memref<128x64xf32, #tpu.memory_space<vmem_shared>>) target(%arg13 : memref<128x64xf32, #tpu.memory_space<vmem>>) target_semaphore(%run_scoped3A : memref<!tpu.dma_semaphore, #tpu.memory_space<semaphore_mem>>)
      %dma_wait3A_110 = arith.constant 0 : i32
      %dma_wait3A_111 = tpu.memref_slice %arg12[%add3A_89, %dma_wait3A_110] : memref<8320x64xf32, #tpu.memory_space<vmem_shared>> -> memref<128x64xf32, #tpu.memory_space<vmem_shared>>
      %dma_wait3A_112 = arith.constant 0 : i32
      %dma_wait3A_113 = tpu.memref_slice %arg12[%add3A_89, %dma_wait3A_112] : memref<8320x64xf32, #tpu.memory_space<vmem_shared>> -> memref<128x64xf32, #tpu.memory_space<vmem_shared>>
      tpu.wait_dma2 semaphore(%run_scoped3A : memref<!tpu.dma_semaphore, #tpu.memory_space<semaphore_mem>>) src(%dma_wait3A_113 : memref<128x64xf32, #tpu.memory_space<vmem_shared>>) dst(%arg13 : memref<128x64xf32, #tpu.memory_space<vmem>>)
      tpu.yield
    }) : () -> ()
    %mul3A_90 = arith.constant 512 : i32
    %mul3A_91 = arith.muli %add3A, %mul3A_90 : i32
    %add3A_92 = arith.constant 128 : i32
    %add3A_93 = arith.addi %mul3A_91, %add3A_92 : i32
    "tpu.region"() ({
      %run_scoped3A = tpu.sem_alloc : memref<!tpu.dma_semaphore, #tpu.memory_space<semaphore_mem>>
      %dma_start3A_106 = arith.constant 0 : i32
      %dma_start3A_107 = tpu.memref_slice %arg9[%add3A_93, %dma_start3A_106] : memref<16384x64xf32, #tpu.memory_space<hbm>> -> memref<128x64xf32, #tpu.memory_space<hbm>>
      %dma_start3A_108 = arith.constant 0 : i32
      %dma_start3A_109 = tpu.memref_slice %arg9[%add3A_93, %dma_start3A_108] : memref<16384x64xf32, #tpu.memory_space<hbm>> -> memref<128x64xf32, #tpu.memory_space<hbm>>
      tpu.enqueue_dma source(%arg13 : memref<128x64xf32, #tpu.memory_space<vmem>>) target(%dma_start3A_109 : memref<128x64xf32, #tpu.memory_space<hbm>>) target_semaphore(%run_scoped3A : memref<!tpu.dma_semaphore, #tpu.memory_space<semaphore_mem>>)
      %dma_wait3A_110 = arith.constant 0 : i32
      %dma_wait3A_111 = tpu.memref_slice %arg9[%add3A_93, %dma_wait3A_110] : memref<16384x64xf32, #tpu.memory_space<hbm>> -> memref<128x64xf32, #tpu.memory_space<hbm>>
      %dma_wait3A_112 = arith.constant 0 : i32
      %dma_wait3A_113 = tpu.memref_slice %arg9[%add3A_93, %dma_wait3A_112] : memref<16384x64xf32, #tpu.memory_space<hbm>> -> memref<128x64xf32, #tpu.memory_space<hbm>>
      tpu.wait_dma2 semaphore(%run_scoped3A : memref<!tpu.dma_semaphore, #tpu.memory_space<semaphore_mem>>) src(%arg13 : memref<128x64xf32, #tpu.memory_space<vmem>>) dst(%dma_wait3A_113 : memref<128x64xf32, #tpu.memory_space<hbm>>)
      tpu.yield
    }) : () -> ()
    %add3A_94 = arith.constant 256 : i32
    %add3A_95 = arith.addi %mul3A_2, %add3A_94 : i32
    "tpu.region"() ({
      %run_scoped3A = tpu.sem_alloc : memref<!tpu.dma_semaphore, #tpu.memory_space<semaphore_mem>>
      %dma_start3A_106 = arith.constant 0 : i32
      %dma_start3A_107 = tpu.memref_slice %arg12[%add3A_95, %dma_start3A_106] : memref<8320x64xf32, #tpu.memory_space<vmem_shared>> -> memref<128x64xf32, #tpu.memory_space<vmem_shared>>
      %dma_start3A_108 = arith.constant 0 : i32
      %dma_start3A_109 = tpu.memref_slice %arg12[%add3A_95, %dma_start3A_108] : memref<8320x64xf32, #tpu.memory_space<vmem_shared>> -> memref<128x64xf32, #tpu.memory_space<vmem_shared>>
      tpu.enqueue_dma source(%dma_start3A_109 : memref<128x64xf32, #tpu.memory_space<vmem_shared>>) target(%arg13 : memref<128x64xf32, #tpu.memory_space<vmem>>) target_semaphore(%run_scoped3A : memref<!tpu.dma_semaphore, #tpu.memory_space<semaphore_mem>>)
      %dma_wait3A_110 = arith.constant 0 : i32
      %dma_wait3A_111 = tpu.memref_slice %arg12[%add3A_95, %dma_wait3A_110] : memref<8320x64xf32, #tpu.memory_space<vmem_shared>> -> memref<128x64xf32, #tpu.memory_space<vmem_shared>>
      %dma_wait3A_112 = arith.constant 0 : i32
      %dma_wait3A_113 = tpu.memref_slice %arg12[%add3A_95, %dma_wait3A_112] : memref<8320x64xf32, #tpu.memory_space<vmem_shared>> -> memref<128x64xf32, #tpu.memory_space<vmem_shared>>
      tpu.wait_dma2 semaphore(%run_scoped3A : memref<!tpu.dma_semaphore, #tpu.memory_space<semaphore_mem>>) src(%dma_wait3A_113 : memref<128x64xf32, #tpu.memory_space<vmem_shared>>) dst(%arg13 : memref<128x64xf32, #tpu.memory_space<vmem>>)
      tpu.yield
    }) : () -> ()
    %mul3A_96 = arith.constant 512 : i32
    %mul3A_97 = arith.muli %add3A, %mul3A_96 : i32
    %add3A_98 = arith.constant 256 : i32
    %add3A_99 = arith.addi %mul3A_97, %add3A_98 : i32
    "tpu.region"() ({
      %run_scoped3A = tpu.sem_alloc : memref<!tpu.dma_semaphore, #tpu.memory_space<semaphore_mem>>
      %dma_start3A_106 = arith.constant 0 : i32
      %dma_start3A_107 = tpu.memref_slice %arg9[%add3A_99, %dma_start3A_106] : memref<16384x64xf32, #tpu.memory_space<hbm>> -> memref<128x64xf32, #tpu.memory_space<hbm>>
      %dma_start3A_108 = arith.constant 0 : i32
      %dma_start3A_109 = tpu.memref_slice %arg9[%add3A_99, %dma_start3A_108] : memref<16384x64xf32, #tpu.memory_space<hbm>> -> memref<128x64xf32, #tpu.memory_space<hbm>>
      tpu.enqueue_dma source(%arg13 : memref<128x64xf32, #tpu.memory_space<vmem>>) target(%dma_start3A_109 : memref<128x64xf32, #tpu.memory_space<hbm>>) target_semaphore(%run_scoped3A : memref<!tpu.dma_semaphore, #tpu.memory_space<semaphore_mem>>)
      %dma_wait3A_110 = arith.constant 0 : i32
      %dma_wait3A_111 = tpu.memref_slice %arg9[%add3A_99, %dma_wait3A_110] : memref<16384x64xf32, #tpu.memory_space<hbm>> -> memref<128x64xf32, #tpu.memory_space<hbm>>
      %dma_wait3A_112 = arith.constant 0 : i32
      %dma_wait3A_113 = tpu.memref_slice %arg9[%add3A_99, %dma_wait3A_112] : memref<16384x64xf32, #tpu.memory_space<hbm>> -> memref<128x64xf32, #tpu.memory_space<hbm>>
      tpu.wait_dma2 semaphore(%run_scoped3A : memref<!tpu.dma_semaphore, #tpu.memory_space<semaphore_mem>>) src(%arg13 : memref<128x64xf32, #tpu.memory_space<vmem>>) dst(%dma_wait3A_113 : memref<128x64xf32, #tpu.memory_space<hbm>>)
      tpu.yield
    }) : () -> ()
    %add3A_100 = arith.constant 384 : i32
    %add3A_101 = arith.addi %mul3A_2, %add3A_100 : i32
    "tpu.region"() ({
      %run_scoped3A = tpu.sem_alloc : memref<!tpu.dma_semaphore, #tpu.memory_space<semaphore_mem>>
      %dma_start3A_106 = arith.constant 0 : i32
      %dma_start3A_107 = tpu.memref_slice %arg12[%add3A_101, %dma_start3A_106] : memref<8320x64xf32, #tpu.memory_space<vmem_shared>> -> memref<128x64xf32, #tpu.memory_space<vmem_shared>>
      %dma_start3A_108 = arith.constant 0 : i32
      %dma_start3A_109 = tpu.memref_slice %arg12[%add3A_101, %dma_start3A_108] : memref<8320x64xf32, #tpu.memory_space<vmem_shared>> -> memref<128x64xf32, #tpu.memory_space<vmem_shared>>
      tpu.enqueue_dma source(%dma_start3A_109 : memref<128x64xf32, #tpu.memory_space<vmem_shared>>) target(%arg13 : memref<128x64xf32, #tpu.memory_space<vmem>>) target_semaphore(%run_scoped3A : memref<!tpu.dma_semaphore, #tpu.memory_space<semaphore_mem>>)
      %dma_wait3A_110 = arith.constant 0 : i32
      %dma_wait3A_111 = tpu.memref_slice %arg12[%add3A_101, %dma_wait3A_110] : memref<8320x64xf32, #tpu.memory_space<vmem_shared>> -> memref<128x64xf32, #tpu.memory_space<vmem_shared>>
      %dma_wait3A_112 = arith.constant 0 : i32
      %dma_wait3A_113 = tpu.memref_slice %arg12[%add3A_101, %dma_wait3A_112] : memref<8320x64xf32, #tpu.memory_space<vmem_shared>> -> memref<128x64xf32, #tpu.memory_space<vmem_shared>>
      tpu.wait_dma2 semaphore(%run_scoped3A : memref<!tpu.dma_semaphore, #tpu.memory_space<semaphore_mem>>) src(%dma_wait3A_113 : memref<128x64xf32, #tpu.memory_space<vmem_shared>>) dst(%arg13 : memref<128x64xf32, #tpu.memory_space<vmem>>)
      tpu.yield
    }) : () -> ()
    %mul3A_102 = arith.constant 512 : i32
    %mul3A_103 = arith.muli %add3A, %mul3A_102 : i32
    %add3A_104 = arith.constant 384 : i32
    %add3A_105 = arith.addi %mul3A_103, %add3A_104 : i32
    "tpu.region"() ({
      %run_scoped3A = tpu.sem_alloc : memref<!tpu.dma_semaphore, #tpu.memory_space<semaphore_mem>>
      %dma_start3A_106 = arith.constant 0 : i32
      %dma_start3A_107 = tpu.memref_slice %arg9[%add3A_105, %dma_start3A_106] : memref<16384x64xf32, #tpu.memory_space<hbm>> -> memref<128x64xf32, #tpu.memory_space<hbm>>
      %dma_start3A_108 = arith.constant 0 : i32
      %dma_start3A_109 = tpu.memref_slice %arg9[%add3A_105, %dma_start3A_108] : memref<16384x64xf32, #tpu.memory_space<hbm>> -> memref<128x64xf32, #tpu.memory_space<hbm>>
      tpu.enqueue_dma source(%arg13 : memref<128x64xf32, #tpu.memory_space<vmem>>) target(%dma_start3A_109 : memref<128x64xf32, #tpu.memory_space<hbm>>) target_semaphore(%run_scoped3A : memref<!tpu.dma_semaphore, #tpu.memory_space<semaphore_mem>>)
      %dma_wait3A_110 = arith.constant 0 : i32
      %dma_wait3A_111 = tpu.memref_slice %arg9[%add3A_105, %dma_wait3A_110] : memref<16384x64xf32, #tpu.memory_space<hbm>> -> memref<128x64xf32, #tpu.memory_space<hbm>>
      %dma_wait3A_112 = arith.constant 0 : i32
      %dma_wait3A_113 = tpu.memref_slice %arg9[%add3A_105, %dma_wait3A_112] : memref<16384x64xf32, #tpu.memory_space<hbm>> -> memref<128x64xf32, #tpu.memory_space<hbm>>
      tpu.wait_dma2 semaphore(%run_scoped3A : memref<!tpu.dma_semaphore, #tpu.memory_space<semaphore_mem>>) src(%arg13 : memref<128x64xf32, #tpu.memory_space<vmem>>) dst(%dma_wait3A_113 : memref<128x64xf32, #tpu.memory_space<hbm>>)
      tpu.yield
    }) : () -> ()
    return
  }
}

</mosaic_0001>

<sc_bundles>
// kernel: _run.3.cloned.1.call-start
scs
__scs_entry_jumppad:
0x0: {  	(pc) =	sbr.rel $0x88, $3  }
0x1: {  	(tag) =	ssettag $0x0;
	lr =	simm.s32 $0x1  }
0x2: {  	[smem:$0x3F9A] =	sst lr;
	_ =	strace $0xD0000000  }
0x3: {  	_ = 	snop  }
0x4: {  	_ = 	snop  }
0x5: {  	_ = 	snop  }
0x6: {  	_ = 	snop  }
0x7: {  	_ = 	snop  }
__scs_overlays_trampoline_lowered:
0x8: {  	[smem:$0x3FA9] =	sst s0  }
0x9: {  	[smem:$0x3FAA] =	sst s1  }
0xa: {  	[smem:$0x3FAB] =	sst s2  }
0xb: {  	[smem:$0x3FAC] =	sst s3  }
0xc: {  	[smem:$0x3FAD] =	sst s4  }
0xd: {  	[smem:$0x3FAE] =	sst s5  }
0xe: {  	[smem:$0x3FAF] =	sst s6  }
0xf: {  	[smem:$0x3FB0] =	sst s7  }
0x10: {  	[smem:$0x3FB1] =	sst s8  }
0x11: {  	[smem:$0x3FB2] =	sst s9;
	s0 =	simm.s32 @!p0 $0x0  }
0x12: {  	s1 =	sld [smem:$0x3F98];
	s0 =	simm.s32 @p0 $0x1  }
0x13: {  	[smem:$0x3FB3] =	sst s0;
	s0 =	simm.s32 @!p1 $0x0  }
0x14: {  	s2 =	sld [smem:$0x3F97];
	s0 =	simm.s32 @p1 $0x1  }
0x15: {  	[smem:$0x3FB4] =	sst s0;
	s0 =	simm.s32 @!p2 $0x0  }
0x16: {  	s3 =	sld [smem:$0x3FDB];
	s0 =	simm.s32 @p2 $0x1  }
0x17: {  	s4 =	simm.s32 $0x1BF5;
	[smem:$0x3FB6] =	sst s0  }
0x18: {  	s0 =	sld [smem:$0x3F99];
	_ =	swait.ge [sflag:s4], $0x0  }
0x19: {  	s7 =	sld [smem:$0x3F9A]  }
0x1a: {  	s8 =	sadd.s32 $0xFFFFE003, lr  }
0x1b: {  	s9 =	sadd.s32 $0xFFFFFEF7, lr;
	s5 =	simm.s32 $0xFFFFFFFF;
	p2 =	slt.u32 s8, $0xFFFFF086  }
0x1c: {  	p1 =	slt.u32 s9, $0xF7A;
	s5 =	simm.s32 @!p2 $0x0  }
0x1d: {  	s5 =	simm.s32 @p1 $0x1;
	p0 =	seq.s32 s7, s2  }
0x1e: {  	s7 =	smul.u32 @!p0 $0xF7A, s2;
	p2 =	seq.s32 @!p0 s5, $0x0  }
0x1f: {  	s9 =	smul.u32 $0xF7A, s1;
	s8 =	simm.s32 @!p0 $0x1BF5;
	p2 =	por !p2, p0  }
0x20: {  	[sflag:s8] =	ssyncset.s32 @!p0 $0xFFFFF086;
	s6 =	sadd.s32 @!p0 s3, s7;
	s7 =	simm.s32 @!p0 $0x108  }
0x21: {  	s3 =	sadd.s32 s3, s9;
	s6 =	sadd.s32 @!p0 $0x88, s6;
	s7 =	simm.s32 @p2 $0x1082  }
0x22: {  	[simem:s7], [sflag:s8] =	dma.local @!p0 [hbm:s6], $0xF7A  }
0x23: {  	s9 =	sor.u32 $0xD0000000, s2;
	s6 =	simm.s32 $0x108;
	_ =	swait.ge @!p0 [sflag:s8], $0x0  }
0x24: {  	s3 =	sadd.s32 $0x88, s3;
	s6 =	simm.s32 @!p1 $0x1082;
	[sflag:s4] =	ssyncset.s32 $0xFFFFF086  }
0x25: {  	[simem:s6], [sflag:s4] =	dma.local [hbm:s3], $0xF7A  }
0x26: {  	[smem:$0x3F9A] =	sst s1;
	(tag) =	ssettag s2;
	_ =	strace s9  }
0x27: {  	s1 =	sld [smem:$0x3FAA]  }
0x28: {  	s2 =	sld [smem:$0x3FAB]  }
0x29: {  	s4 =	sld [smem:$0x3FAD]  }
0x2a: {  	p0 =	seq.s32 s5, $0x0;
	s5 =	sld [smem:$0x3FAE]  }
0x2b: {  	s6 =	sld [smem:$0x3FAF]  }
0x2c: {  	s7 =	sld [smem:$0x3FB0]  }
0x2d: {  	s3 =	simm.s32 $0x108;
	s8 =	sld [smem:$0x3FB1]  }
0x2e: {  	s3 =	simm.s32 @!p0 $0x1082;
	s9 =	sld [smem:$0x3FB2]  }
0x2f: {  	lr =	sadd.s32 s0, s3;
	s0 =	sld [smem:$0x3FA9]  }
0x30: {  	s3 =	sld [smem:$0x3FAC]  }
0x31: {  	[smem:$0x3FB5] =	sst s10  }
0x32: {  	s10 =	sld [smem:$0x3FB3];
	_ =	sdelay $0x3  }
0x33: {  	p0 =	seq.s32 s10, $0x1;
	s10 =	sld [smem:$0x3FB5];
	_ =	sdelay $0x3  }
0x34: {  	[smem:$0x3FB5] =	sst s10  }
0x35: {  	s10 =	sld [smem:$0x3FB4];
	_ =	sdelay $0x3  }
0x36: {  	p1 =	seq.s32 s10, $0x1;
	s10 =	sld [smem:$0x3FB5];
	_ =	sdelay $0x3  }
0x37: {  	[smem:$0x3FB5] =	sst s10  }
0x38: {  	s10 =	sld [smem:$0x3FB6]  }
0x39: {  	_ = 	snop;
	(pc) =	sbr.ind lr, $3  }
0x3a: {  	_ = 	snop  }
0x3b: {  	_ = 	snop  }
0x3c: {  	p2 =	seq.s32 s10, $0x1;
	s10 =	sld [smem:$0x3FB5]  }
0x3d: {  	_ =	shalt  }
0x3e: {  	_ =	shalt  }
0x3f: {  	_ =	shalt  }
0x40: {  	_ =	shalt  }
0x41: {  	_ =	shalt  }
0x42: {  	_ =	shalt  }
0x43: {  	_ =	shalt  }
0x44: {  	_ =	shalt  }
0x45: {  	_ =	shalt  }
0x46: {  	_ =	shalt  }
0x47: {  	_ =	shalt  }
0x48: {  	_ =	shalt  }
0x49: {  	_ =	shalt  }
0x4a: {  	_ =	shalt  }
0x4b: {  	_ =	shalt  }
0x4c: {  	_ =	shalt  }
0x4d: {  	_ =	shalt  }
0x4e: {  	_ =	shalt  }
0x4f: {  	_ =	shalt  }
0x50: {  	_ =	shalt  }
0x51: {  	_ =	shalt  }
0x52: {  	_ =	shalt  }
0x53: {  	_ =	shalt  }
0x54: {  	_ =	shalt  }
0x55: {  	_ =	shalt  }
0x56: {  	_ =	shalt  }
0x57: {  	_ =	shalt  }
0x58: {  	_ =	shalt  }
0x59: {  	_ =	shalt  }
0x5a: {  	_ =	shalt  }
0x5b: {  	_ =	shalt  }
0x5c: {  	_ =	shalt  }
0x5d: {  	_ =	shalt  }
0x5e: {  	_ =	shalt  }
0x5f: {  	_ =	shalt  }
0x60: {  	_ =	shalt  }
0x61: {  	_ =	shalt  }
0x62: {  	_ =	shalt  }
0x63: {  	_ =	shalt  }
0x64: {  	_ =	shalt  }
0x65: {  	_ =	shalt  }
0x66: {  	_ =	shalt  }
0x67: {  	_ =	shalt  }
0x68: {  	_ =	shalt  }
0x69: {  	_ =	shalt  }
0x6a: {  	_ =	shalt  }
0x6b: {  	_ =	shalt  }
0x6c: {  	_ =	shalt  }
0x6d: {  	_ =	shalt  }
0x6e: {  	_ =	shalt  }
0x6f: {  	_ =	shalt  }
0x70: {  	_ =	shalt  }
0x71: {  	_ =	shalt  }
0x72: {  	_ =	shalt  }
0x73: {  	_ =	shalt  }
0x74: {  	_ =	shalt  }
0x75: {  	_ =	shalt  }
0x76: {  	_ =	shalt  }
0x77: {  	_ =	shalt  }
0x78: {  	_ =	shalt  }
0x79: {  	_ =	shalt  }
0x7a: {  	_ =	shalt  }
0x7b: {  	_ =	shalt  }
0x7c: {  	_ =	shalt  }
0x7d: {  	_ =	shalt  }
0x7e: {  	_ =	shalt  }
0x7f: {  	_ =	shalt  }
0x80: {  	_ =	shalt  }
0x81: {  	_ =	shalt  }
0x82: {  	_ =	shalt  }
0x83: {  	_ =	shalt  }
0x84: {  	_ =	shalt  }
0x85: {  	_ =	shalt  }
0x86: {  	_ =	shalt  }
0x87: {  	_ =	shalt  }
.Lfunc_end0:
.L_simem_size_0:
called_computation_lowered:
.L_overlay_start_0:
0x88: {  	s2 =	sld [smem:$0x3FD9]  }
0x89: {  	s3 =	sld [smem:$0x3FFE];
	_ =	sdelay $0x1  }
0x8a: {  	s1 =	srdreg.scid  }
0x8b: {  	s0 =	sand.u32 $0x1, s1  }
0x8c: {  	s17 =	sshll.u32 s0, $0xA;
	s2 =	sadd.s32 s3, s2  }
0x8d: {  	s2 =	sadd.s32 s2, s17  }
0x8e: {  	[smem:$0x3FC1] =	sst s2  }
0x8f: {  	_ = 	snop  }
0x90: {  	s2 =	sld [smem:$0x3FC9]  }
0x91: {  	s18 =	sld [smem:$0x3FC8]  }
0x92: {  	s4 =	sld [smem:$0x3FC7]  }
0x93: {  	s5 =	sld [smem:$0x3FC6]  }
0x94: {  	s6 =	sld [smem:$0x3FC5]  }
0x95: {  	s7 =	sld [smem:$0x3FC4]  }
0x96: {  	s8 =	sld [smem:$0x3FD0];
	(tm) =	ssettm $0x1  }
0x97: {  	s9 =	sld [smem:$0x3FFB];
	_ =	sdelay $0x3  }
0x98: {  	_ =	strace s9  }
0x99: {  	s9 =	sld [smem:$0x3FFC];
	_ =	sdelay $0x3  }
0x9a: {  	_ =	strace s9  }
0x9b: {  	s9 =	sld [smem:$0x3FFD];
	_ =	sdelay $0x3  }
0x9c: {  	_ =	strace s9  }
0x9d: {  	_ =	strace $0x8FFFFFFF  }
0x9e: {  	s19 =	sld [smem:$0x3FDB];
	_ =	sdelay $0x1  }
0x9f: {  	s10 =	simm.s32 $_scs_section_size  }
0xa0: {  	s11 =	simm.s32 $_size__tile_overlayer_lowered;
	s12 =	simm.s32 $_tile_overlayer_lowered  }
0xa1: {  	s22 =	simm.s32 $0x1BFF;
	s21 =	sshll.u32 s12, $0x1;
	s9 =	sadd.s32 s10, s19  }
0xa2: {  	s13 =	simm.s32 $0x0;
	s20 =	sshll.u32 s11, $0x1;
	s11 =	sadd.s32 s21, s9  }
0xa3: {  	[timem:s13], [sflag:s22] =	dma.local [hbm:s11], s20  }
0xa4: {  	_ =	swait.ge [sflag:s22], s20  }
0xa5: {  	s10 =	ssub.s32 $0x0, s20;
	[sflag:s22] =	ssyncset.done $0x0  }
0xa6: {  	[sflag:s22] =	ssyncadd.s32 s10;
	_ =	sdelay $0x1  }
0xa7: {  	s23 =	simm.s32 $0x1B8B  }
0xa8: {  	_ =	swait.ge [sflag:s23], $0x1  }
0xa9: {  	[sflag:s23] =	ssyncset.done $0x0  }
0xaa: {  	s25 =	simm.s32 $0x1B8E;
	s24 =	sld [smem:$0x3FFE];
	[sflag:s23] =	ssyncadd.s32 $0xFFFFFFFF  }
0xab: {  	s26 =	simm.s32 $execute0_lowered;
	[smem:$0x3FD2] =	sst s25  }
0xac: {  	s11 =	sshll.u32 s26, $0x1;
	_ =	strace $0x80000046;
	[dreg:$0x1] =	wrdreg $0xFFFFFFFF  }
0xad: {  	s28 =	simm.s32 $_size_execute0_lowered;
	s9 =	sadd.s32 s9, s11;
	[dreg:$0x0] =	wrdreg $0x0  }
0xae: {  	s11 =	sshll.u32 s28, $0x1;
	[dreg:$0x2] =	wrdreg s9  }
0xaf: {  	[dreg:$0x3] =	wrdreg s11  }
0xb0: {  	[dreg:$0x4] =	wrdreg $0xC0  }
0xb1: {  	_ =	task [dreg:s13], $0x5FFFF  }
0xb2: {  	[dreg:$0x1] =	wrdreg $0xFFFFFFFF  }
0xb3: {  	[dreg:$0x0] =	wrdreg $0x60  }
0xb4: {  	[dreg:$0x2] =	wrdreg s2  }
0xb5: {  	[dreg:$0x3] =	wrdreg s18  }
0xb6: {  	[dreg:$0x4] =	wrdreg s4  }
0xb7: {  	[dreg:$0x5] =	wrdreg s5  }
0xb8: {  	[dreg:$0x6] =	wrdreg s6  }
0xb9: {  	[dreg:$0x7] =	wrdreg s7  }
0xba: {  	[dreg:$0x8] =	wrdreg s24  }
0xbb: {  	[dreg:$0x9] =	wrdreg s8  }
0xbc: {  	[dreg:$0xa] =	wrdreg $0xF0000  }
0xbd: {  	[dreg:$0xb] =	wrdreg $0x9  }
0xbe: {  	_ =	task.clear_ibuf [dreg:s13], $0xCFFFF;
	_ =	strace $0x90000046  }
0xbf: {  	s29 =	simm.s32 $0x9;
	_ =	strace $0x80000048  }
0xc0: {  	_ =	swait.ge [sflag:s29], $0x1  }
0xc1: {  	[sflag:s29] =	ssyncadd.s32 $0xFFFFFFFF  }
0xc2: {  	_ =	strace $0x90000048  }
0xc3: {  	_ =	sfence  }
0xc4: {  	s30 =	sld [smem:$0x0];
	_ =	sdelay $0x2  }
0xc5: {  	s31 =	sshll.u32 s1, $0xD;
	s1 =	sshrl.u32 s1, $0x2  }
0xc6: {  	s3 =	sand.u32 $0x4000, s31;
	s1 =	sadd.s32 s1, s30  }
0xc7: {  	s0 =	sor.u32 s3, s0;
	s1 =	sshll.u32 s1, $0x11  }
0xc8: {  	s0 =	sor.u32 s1, s0  }
0xc9: {  	s0 =	sadd.s32 $0x8F2B, s0  }
0xca: {  	[sflag:s0] =	ssyncadd.remote.s32 $0x1  }
0xcb: {  	_ =	sfence.sel $0xFFFF  }
0xcc: {  	[dreg:$0x0] =	wrdreg $0xFFFFFFFF;
	(pc) =	sbr.abs _section_cstart, $3  }
0xcd: {  	[dreg:$0x1] =	wrdreg $0xFFFFFFFF  }
0xce: {  	_ =	task.clear_ibuf [dreg:s13], $0x2FFFF;
	_ =	strace $0x9FFFFFFF  }
0xcf: {  	(tm) =	ssettm $0x7FFFFFFF  }
tec
execute0_lowered:
.L_overlay_start_1:
0x0: {  	(tag) =	ssettag $0x1  }
0x1: {  	s0 =	rddreg [dreg:$0x0]  }
0x2: {  	s1 =	rddreg [dreg:$0x1]  }
0x3: {  	s5 =	rddreg [dreg:$0x2]  }
0x4: {  	s6 =	rddreg [dreg:$0x3]  }
0x5: {  	s7 =	rddreg [dreg:$0x4]  }
0x6: {  	s8 =	rddreg [dreg:$0x5]  }
0x7: {  	s4 =	rddreg [dreg:$0x6]  }
0x8: {  	s15 =	rddreg [dreg:$0x7];
	s3 =	srdreg.scid  }
0x9: {  	s10 =	stileid.u32;
	s2 =	rddreg [dreg:$0x8];
	s21 =	simm.s32 $0x9  }
0xa: {  	s28 =	simm.s32 $0x80;
	s29 =	simm.s32 $0x19200;
	s31 =	simm.s32 $0x1B200  }
0xb: {  	s30 =	simm.s32 $0x5;
	s9 =	sand.u32 $0x1, s3;
	s11 =	sshll.u32 s10, $0x1  }
0xc: {  	s3 =	simm.s32 $0x0;
	s14 =	smul.u32 $0x20800, s10;
	s4 =	sadd.s32 $0xF42800, s4  }
0xd: {  	s10 =	smul.u32 $0x208, s10;
	s11 =	sor.u32 s9, s11;
	[smem:$0x7FF] =	sst s3  }
0xe: {  	s9 =	ssub.s32 $0x2, s9;
	s12 =	smul.u32 $0x500, s11;
	_ =	strace $0x80000047  }
0xf: {  	s13 =	sshrl.u32 s9, $0x1;
	s18 =	sadd.s32 $0x200, s10;
	s22 =	sshll.u32 s11, $0xC  }
0x10: {  	s16 =	ssub.s32 s9, s13;
	s9 =	sshrl.u32 s14, $0x2;
	s23 =	sshll.u32 s18, $0x6  }
0x11: {  	s15 =	sadd.s32 s15, s22;
	s22 =	simm.s32 $0x17200;
	s0 =	sadd.s32 s0, s12  }
0x12: {  	s5 =	sadd.s32 s5, s12;
	s13 =	sadd.s32 s7, s12;
	[dreg:$0xa] =	wrdreg s0  }
0x13: {  	s1 =	sadd.s32 s1, s12;
	s9 =	sadd.s32 s9, s2;
	[dreg:$0xb] =	wrdreg s5  }
0x14: {  	s14 =	sadd.s32 s6, s12;
	s17 =	sadd.s32 s8, s12;
	[dreg:$0xc] =	wrdreg s13  }
0x15: {  	s24 =	sadd.s32 s23, s2;
	s25 =	sadd.s32 $0x400, s15;
	[dreg:$0xd] =	wrdreg s1  }
0x16: {  	s26 =	sadd.s32 $0x800, s15;
	s19 =	sadd.s32 $0xC00, s15;
	[dreg:$0xe] =	wrdreg s14  }
0x17: {  	s20 =	smax.u32 s16, $0x1;
	s23 =	simm.s32 $0x1;
	[dreg:$0xf] =	wrdreg s17  }
.Ltmp0:
0x18: {  	s6 =	simm.s32 $0x8;
	[dreg:$0x10] =	wrdreg s24;
	(pc) =	sbr.rel .LBB2_1-.Ltmp0, $4  }
0x19: {  	s7 =	simm.s32 $0x0;
	s12 =	sadd.s32 $0x2000, s9;
	[dreg:$0x11] =	wrdreg s25  }
0x1a: {  	s13 =	sadd.s32 $0x4000, s9;
	s14 =	sadd.s32 $0x6000, s9;
	[dreg:$0x12] =	wrdreg s26  }
0x1b: {  	v2 =	vimm.f32 $0.0e+00;
	s0 =	simm.s32 $0x1D200;
	s24 =	simm.s32 $0x2;
	s25 =	simm.s32 $0x3  }
0x1c: {  	v3 =	vlaneseq.u32;
	v1 =	vmov s10;
	v0 =	vmov s18;
	s26 =	simm.s32 $0x4;
	s1 =	simm.s32 $0x6;
	s5 =	simm.s32 $0x7  }
.LBB2_6:
0x1d: {  	_ =	swait.ge [sflag:s1], $0x2000  }
0x1e: {  	[sflag:s1] =	ssyncset.done $0x0  }
0x1f: {  	[sflag:s1] =	ssyncadd.s32 $0xFFFFE000  }
0x20: {  	_ =	swait.ge [sflag:s5], $0x2000  }
0x21: {  	[sflag:s5] =	ssyncset.done $0x0  }
0x22: {  	[sflag:s5] =	ssyncadd.s32 $0xFFFFE000  }
0x23: {  	_ =	swait.ge [sflag:s6], $0x2000  }
0x24: {  	[sflag:s6] =	ssyncset.done $0x0  }
0x25: {  	[sflag:s6] =	ssyncadd.s32 $0xFFFFE000  }
0x26: {  	[tilespmem:s22], [sflag:$0x9] =	stream.linear.gather [spmem:s9], $0x2000, $0x38;
	[tilespmem:$0x1F200] =	vst v63  }
0x27: {  	_ =	swait.ge [sflag:s21], $0x2000  }
0x28: {  	[sflag:s21] =	ssyncset.done $0x0  }
0x29: {  	[sflag:s21] =	ssyncadd.s32 $0xFFFFE000  }
0x2a: {  	[hbm4b:s15+s3] =	stream.linear.scatter [tilespmem:s22], [sflag:$0x9], $0x2000, $0x38;
	[tilespmem:$0x1F200] =	vst v63  }
0x2b: {  	_ =	swait.ge [sflag:s21], $0x2000  }
0x2c: {  	[sflag:s21] =	ssyncset.done $0x0  }
0x2d: {  	[sflag:s21] =	ssyncadd.s32 $0xFFFFE000  }
0x2e: {  	[tilespmem:s22], [sflag:$0x9] =	stream.linear.gather [spmem:s12], $0x2000, $0x38;
	[tilespmem:$0x1F200] =	vst v63  }
0x2f: {  	_ =	swait.ge [sflag:s21], $0x2000  }
0x30: {  	[sflag:s21] =	ssyncset.done $0x0  }
0x31: {  	s8 =	rddreg [dreg:$0x11];
	[sflag:s21] =	ssyncadd.s32 $0xFFFFE000  }
0x32: {  	[hbm4b:s8+s3] =	stream.linear.scatter [tilespmem:s22], [sflag:$0x9], $0x2000, $0x38;
	[tilespmem:$0x1F200] =	vst v63  }
0x33: {  	_ =	swait.ge [sflag:s21], $0x2000  }
0x34: {  	[sflag:s21] =	ssyncset.done $0x0  }
0x35: {  	[sflag:s21] =	ssyncadd.s32 $0xFFFFE000  }
0x36: {  	[tilespmem:s22], [sflag:$0x9] =	stream.linear.gather [spmem:s13], $0x2000, $0x38;
	[tilespmem:$0x1F200] =	vst v63  }
0x37: {  	_ =	swait.ge [sflag:s21], $0x2000  }
0x38: {  	[sflag:s21] =	ssyncset.done $0x0  }
0x39: {  	s18 =	rddreg [dreg:$0x12];
	[sflag:s21] =	ssyncadd.s32 $0xFFFFE000  }
0x3a: {  	[hbm4b:s18+s3] =	stream.linear.scatter [tilespmem:s22], [sflag:$0x9], $0x2000, $0x38;
	[tilespmem:$0x1F200] =	vst v63  }
0x3b: {  	_ =	swait.ge [sflag:s21], $0x2000  }
0x3c: {  	[sflag:s21] =	ssyncset.done $0x0  }
0x3d: {  	[sflag:s21] =	ssyncadd.s32 $0xFFFFE000  }
0x3e: {  	[tilespmem:s22], [sflag:$0x9] =	stream.linear.gather [spmem:s14], $0x2000, $0x38;
	[tilespmem:$0x1F200] =	vst v63  }
0x3f: {  	s7 =	sadd.s32 $0x1, s7;
	_ =	swait.ge [sflag:s21], $0x2000  }
0x40: {  	p0 =	sne.s32 s7, s20;
	[sflag:s21] =	ssyncset.done $0x0  }
.Ltmp1:
0x41: {  	[sflag:s21] =	ssyncadd.s32 $0xFFFFE000;
	(pc) =	sbr.rel @!p0 .LBB2_7-.Ltmp1, $4  }
0x42: {  	[hbm4b:s19+s3] =	stream.linear.scatter [tilespmem:s22], [sflag:$0x9], $0x2000, $0x38;
	[tilespmem:$0x1F200] =	vst v63  }
0x43: {  	_ =	swait.ge [sflag:s21], $0x2000  }
0x44: {  	[sflag:s21] =	ssyncset.done $0x0  }
0x45: {  	[sflag:s21] =	ssyncadd.s32 $0xFFFFE000  }
.LBB2_1:
0x46: {  	s8 =	rddreg [dreg:$0xa]  }
0x47: {  	[tilespmem:s3], [sflag:$0x9] =	stream.linear.gather [hbm4b:s8+s3], $0x2800, $0x38;
	[tilespmem:$0x1F200] =	vst v63  }
0x48: {  	_ =	swait.ge [sflag:s21], $0x2800  }
0x49: {  	[sflag:s21] =	ssyncset.done $0x0  }
0x4a: {  	s10 =	simm.s32 $0x2800;
	s16 =	rddreg [dreg:$0xb];
	[sflag:s21] =	ssyncadd.s32 $0xFFFFD800  }
0x4b: {  	[tilespmem:s10], [sflag:$0x9] =	stream.linear.gather [hbm4b:s16+s3], $0x2800, $0x38;
	[tilespmem:$0x1F200] =	vst v63  }
0x4c: {  	_ =	swait.ge [sflag:s21], $0x2800  }
0x4d: {  	[sflag:s21] =	ssyncset.done $0x0  }
0x4e: {  	s18 =	simm.s32 $0x5000;
	s17 =	rddreg [dreg:$0xc];
	[sflag:s21] =	ssyncadd.s32 $0xFFFFD800  }
0x4f: {  	[tilespmem:s18], [sflag:$0x9] =	stream.linear.gather [hbm4b:s17+s3], $0x2800, $0x38;
	[tilespmem:$0x1F200] =	vst v63  }
0x50: {  	_ =	swait.ge [sflag:s21], $0x2800  }
0x51: {  	[sflag:s21] =	ssyncset.done $0x0  }
0x52: {  	s16 =	simm.s32 $0x7800;
	s11 =	rddreg [dreg:$0xd];
	[sflag:s21] =	ssyncadd.s32 $0xFFFFD800  }
0x53: {  	[tilespmem:s16], [sflag:$0x9] =	stream.linear.gather [hbm4b:s11+s3], $0x2800, $0x38;
	[tilespmem:$0x1F200] =	vst v63  }
0x54: {  	_ =	swait.ge [sflag:s21], $0x2800  }
0x55: {  	[sflag:s21] =	ssyncset.done $0x0  }
0x56: {  	s18 =	simm.s32 $0xA000;
	s17 =	rddreg [dreg:$0xe];
	[sflag:s21] =	ssyncadd.s32 $0xFFFFD800  }
0x57: {  	[tilespmem:s18], [sflag:$0x9] =	stream.linear.gather [hbm4b:s17+s3], $0x2800, $0x38;
	[tilespmem:$0x1F200] =	vst v63  }
0x58: {  	_ =	swait.ge [sflag:s21], $0x2800  }
0x59: {  	[sflag:s21] =	ssyncset.done $0x0  }
0x5a: {  	s16 =	simm.s32 $0xC800;
	s11 =	rddreg [dreg:$0xf];
	[sflag:s21] =	ssyncadd.s32 $0xFFFFD800  }
0x5b: {  	[tilespmem:s16], [sflag:$0x9] =	stream.linear.gather [hbm4b:s11+s3], $0x2800, $0x38;
	[tilespmem:$0x1F200] =	vst v63  }
0x5c: {  	_ =	swait.ge [sflag:s21], $0x2800  }
0x5d: {  	[sflag:s21] =	ssyncset.done $0x0  }
0x5e: {  	[sflag:s21] =	ssyncadd.s32 $0xFFFFD800  }
0x5f: {  	[tilespmem:s29], [sflag:$0x2] =	stream.indirect.gather [hbm4b:s4+s28], $0x40, s28, s28, $0xb8;
	[tilespmem:$0x1F200] =	vst v63  }
0x60: {  	s17 =	simm.s32 $0x100  }
0x61: {  	[tilespmem:s31], [sflag:$0x3] =	stream.indirect.gather [hbm4b:s4+s28], $0x40, s17, s28, $0xb8;
	[tilespmem:$0x1F200] =	vst v63  }
0x62: {  	s8 =	simm.s32 $0x0;
	s10 =	simm.s32 $0x100;
	s18 =	simm.s32 $0x180  }
0x63: {  	[tilespmem:s0], [sflag:$0x4] =	stream.indirect.gather [hbm4b:s4+s28], $0x40, s18, s28, $0xb8;
	[tilespmem:$0x1F200] =	vst v63  }
.LBB2_2:
0x64: {  	p0 =	sne.s32 s10, $0x7F00;
	[tilespmem:s8+$0x17230] =	vst v2;
	s11 =	smov.u32 s10;
	s10 =	sadd.s32 $0x100, s10  }
.Ltmp2:
0x65: {  	[tilespmem:s8+$0x17220] =	vst v2;
	(pc) =	sbr.rel @p0 .LBB2_2-.Ltmp2, $3  }
0x66: {  	[tilespmem:s8+$0x17200] =	vst v2  }
0x67: {  	[tilespmem:s8+$0x17210] =	vst v2;
	_ =	sdelay $0x1  }
0x68: {  	s8 =	sshra.s32 s11, $0x2  }
0x69: {  	[tilespmem:s8+$0x17230] =	vst v2  }
0x6a: {  	[tilespmem:s8+$0x17220] =	vst v2  }
0x6b: {  	[tilespmem:s8+$0x17200] =	vst v2  }
0x6c: {  	[tilespmem:s8+$0x17210] =	vst v2  }
0x6d: {  	[spmem:s9] =	stream.linear.scatter [tilespmem:s22], [sflag:$0x9], $0x2000, $0x38;
	[tilespmem:$0x1F200] =	vst v63  }
0x6e: {  	_ =	swait.ge [sflag:s21], $0x2000  }
0x6f: {  	[sflag:s21] =	ssyncset.done $0x0  }
0x70: {  	[sflag:s21] =	ssyncadd.s32 $0xFFFFE000  }
0x71: {  	[spmem:s12] =	stream.linear.scatter [tilespmem:s22], [sflag:$0x9], $0x2000, $0x38;
	[tilespmem:$0x1F200] =	vst v63  }
0x72: {  	_ =	swait.ge [sflag:s21], $0x2000  }
0x73: {  	[sflag:s21] =	ssyncset.done $0x0  }
0x74: {  	[sflag:s21] =	ssyncadd.s32 $0xFFFFE000  }
0x75: {  	[spmem:s13] =	stream.linear.scatter [tilespmem:s22], [sflag:$0x9], $0x2000, $0x38;
	[tilespmem:$0x1F200] =	vst v63  }
0x76: {  	_ =	swait.ge [sflag:s21], $0x2000  }
0x77: {  	[sflag:s21] =	ssyncset.done $0x0  }
0x78: {  	[sflag:s21] =	ssyncadd.s32 $0xFFFFE000  }
0x79: {  	[spmem:s14] =	stream.linear.scatter [tilespmem:s22], [sflag:$0x9], $0x2000, $0x38;
	[tilespmem:$0x1F200] =	vst v63  }
0x7a: {  	_ =	swait.ge [sflag:s21], $0x2000  }
0x7b: {  	[sflag:s21] =	ssyncset.done $0x0  }
0x7c: {  	s18 =	rddreg [dreg:$0x10];
	[sflag:s21] =	ssyncadd.s32 $0xFFFFE000  }
0x7d: {  	[spmem:s18] =	stream.linear.scatter [tilespmem:s22], [sflag:$0x9], $0x200, $0x38;
	[tilespmem:$0x1F200] =	vst v63  }
0x7e: {  	_ =	swait.ge [sflag:s21], $0x200  }
0x7f: {  	[sflag:s21] =	ssyncset.done $0x0  }
0x80: {  	s8 =	simm.s32 $0x0;
	s10 =	simm.s32 $0x0;
	[sflag:s21] =	ssyncadd.s32 $0xFFFFFE00  }
0x81: {  	[tilespmem:s22], [sflag:$0x1] =	stream.indirect.gather [hbm4b:s4+s28], $0x40, s8, s28, $0xb8;
	[tilespmem:$0x1F200] =	vst v63  }
.LBB2_4:
0x82: {  	s11 =	sand.u32 $0xFF, s8  }
0x83: {  	s11 =	smul.u32 $0xCD, s11;
	_ =	sdelay $0x1  }
0x84: {  	s11 =	sshrl.u32 s11, $0xE  }
0x85: {  	s16 =	smul.u32 $0x50, s11;
	s11 =	sshra.s32 s10, $0x2  }
0x86: {  	v4 =	vld [tilespmem:s11+$0x7800]  }
0x87: {  	v5 =	vld [tilespmem:s11+$0x7810]  }
0x88: {  	v7 =	vld [tilespmem:s11+$0x7820];
	s16 =	ssub.s32 s8, s16  }
0x89: {  	v9 =	vld [tilespmem:s11+$0x7840];
	s16 =	sand.u32 $0xFF, s16  }
0x8a: {  	v10 =	vld [tilespmem:s11+$0x7850];
	s16 =	sshll.u32 s16, $0x7  }
0x8b: {  	v24 =	vld [tilespmem:s11+$0x7860];
	v6 =	vor.u32 s16, v3  }
0x8c: {  	s17 =	sor.u32 $0x10, s16;
	v6 =	vmulhi.u32 $0xCCCCCCD, v6;
	vm0 =	vlt.f32 v4, $0.0e+00;
	vm1 =	vgt.f32 v4, $0.0e+00  }
0x8d: {  	s18 =	sor.u32 $0x20, s16;
	v4 =	vor.u32 s17, v3;
	vm15 =	vlt.f32 v5, $0.0e+00;
	vm2 =	vgt.f32 v5, $0.0e+00  }
0x8e: {  	v8 =	vor.u32 s18, v3;
	vm4 =	vlt.f32 v7, $0.0e+00;
	vm5 =	vgt.f32 v7, $0.0e+00  }
0x8f: {  	vm9 =	vlt.f32 v9, $0.0e+00;
	vm10 =	vgt.f32 v9, $0.0e+00;
	vm11 =	vlt.f32 v10, $0.0e+00  }
0x90: {  	v12 =	vld [tilespmem:s11+$0x7870];
	vm12 =	vgt.f32 v10, $0.0e+00;
	vm13 =	vlt.f32 v24, $0.0e+00;
	vm14 =	vgt.f32 v24, $0.0e+00  }
0x91: {  	s18 =	sor.u32 $0x30, s16;
	vm0 =	vmor vm1, vm0;
	v4 =	vmulhi.u32 $0xCCCCCCD, v4;
	vm1 =	vmor vm2, vm15  }
0x92: {  	v5 =	vld [tilespmem:s11+$0x7830];
	v8 =	vmulhi.u32 $0xCCCCCCD, v8;
	v23 =	vor.u32 s18, v3;
	vm15 =	vmor vm14, vm13  }
0x93: {  	v6 =	vadd.s32 v1, v6;
	v7 =	vmulhi.u32 $0xCCCCCCD, v23;
	v4 =	vadd.s32 v1, v4  }
0x94: {  	v6 =	vsel vm0, v6, v0;
	vm0 =	vmor vm5, vm4;
	v8 =	vadd.s32 v1, v8  }
0x95: {  	vm4 =	vlt.f32 v12, $0.0e+00;
	v4 =	vsel vm1, v4, v0;
	v8 =	vsel vm0, v8, v0  }
0x96: {  	s18 =	sor.u32 $0x40, s16;
	v7 =	vadd.s32 v1, v7;
	vm1 =	vmor vm10, vm9;
	vm0 =	vmor vm12, vm11  }
0x97: {  	vm6 =	vlt.f32 v5, $0.0e+00;
	vm7 =	vgt.f32 v5, $0.0e+00;
	v5 =	vor.u32 s18, v3;
	s18 =	sor.u32 $0x50, s16  }
0x98: {  	[tilespmem:s11+$0x7800] =	vst v6;
	vm8 =	vmor vm7, vm6;
	v5 =	vmulhi.u32 $0xCCCCCCD, v5;
	v11 =	vor.u32 s18, v3;
	s18 =	sor.u32 $0x60, s16  }
0x99: {  	[tilespmem:s11+$0x7810] =	vst v4;
	s16 =	sor.u32 $0x70, s16;
	v7 =	vsel vm8, v7, v0;
	v11 =	vmulhi.u32 $0xCCCCCCD, v11;
	v25 =	vor.u32 s18, v3  }
0x9a: {  	[tilespmem:s11+$0x7820] =	vst v8;
	v26 =	vor.u32 s16, v3;
	v5 =	vadd.s32 v1, v5;
	v6 =	vmulhi.u32 $0xCCCCCCD, v25  }
0x9b: {  	s16 =	smul.u32 $0xCD, s8;
	[tilespmem:s11+$0x7830] =	vst v7;
	v27 =	vmulhi.u32 $0xCCCCCCD, v26;
	v5 =	vsel vm1, v5, v0;
	v4 =	vadd.s32 v1, v11  }
0x9c: {  	vm5 =	vgt.f32 v12, $0.0e+00;
	v4 =	vsel vm0, v4, v0;
	[tilespmem:s11+$0x7840] =	vst v5;
	v5 =	vadd.s32 v1, v6  }
0x9d: {  	vm6 =	vmor vm5, vm4;
	s18 =	sadd.s32 $0xCD, s16;
	[tilespmem:s11+$0x7850] =	vst v4;
	v4 =	vsel vm15, v5, v0;
	v5 =	vadd.s32 v1, v27  }
0x9e: {  	s17 =	sshrl.u32 s18, $0xE;
	[tilespmem:s11+$0x7860] =	vst v4;
	v4 =	vsel vm6, v5, v0  }
0x9f: {  	s17 =	sand.u32 $0x3, s17;
	[tilespmem:s11+$0x7870] =	vst v4  }
0xa0: {  	s17 =	smul.u32 $0x50, s17;
	_ =	swait.ge [sflag:s23], $0x2000  }
0xa1: {  	[sflag:s23] =	ssyncset.done $0x0  }
0xa2: {  	s18 =	sadd.s32 $0x7800, s11;
	s17 =	ssub.s32 s8, s17;
	[sflag:s23] =	ssyncadd.s32 $0xFFFFE000  }
0xa3: {  	[spmem:s2] =	stream.indirect.scatter.add.f32 [tilespmem:s22], [sflag:$0x5], $0x40, s18, s28, $0xb8;
	[tilespmem:$0x1F200] =	vst v63  }
0xa4: {  	s17 =	sadd.s32 $0x1, s17;
	v4 =	vld [tilespmem:s11+$0x7880]  }
0xa5: {  	s17 =	sand.u32 $0xFF, s17;
	v5 =	vld [tilespmem:s11+$0x7890]  }
0xa6: {  	s17 =	sshll.u32 s17, $0x7;
	v29 =	vld [tilespmem:s11+$0x78A0]  }
0xa7: {  	v28 =	vor.u32 s17, v3;
	v31 =	vld [tilespmem:s11+$0x78C0]  }
0xa8: {  	v33 =	vld [tilespmem:s11+$0x78D0];
	v6 =	vmulhi.u32 $0xCCCCCCD, v28;
	_ =	sdelay $0x1  }
0xa9: {  	s18 =	sor.u32 $0x10, s17;
	v34 =	vld [tilespmem:s11+$0x78E0];
	v6 =	vadd.s32 v1, v6;
	vm7 =	vlt.f32 v4, $0.0e+00  }
0xaa: {  	vm8 =	vgt.f32 v4, $0.0e+00;
	v4 =	vor.u32 s18, v3;
	vm9 =	vlt.f32 v5, $0.0e+00  }
0xab: {  	vm10 =	vgt.f32 v5, $0.0e+00;
	vm11 =	vlt.f32 v29, $0.0e+00;
	vm12 =	vgt.f32 v29, $0.0e+00  }
0xac: {  	v36 =	vld [tilespmem:s11+$0x78F0];
	vm4 =	vlt.f32 v31, $0.0e+00;
	vm5 =	vgt.f32 v31, $0.0e+00;
	vm6 =	vlt.f32 v33, $0.0e+00  }
0xad: {  	s18 =	sor.u32 $0x20, s17;
	vm0 =	vmor vm8, vm7;
	v4 =	vmulhi.u32 $0xCCCCCCD, v4;
	vm1 =	vmor vm10, vm9  }
0xae: {  	v5 =	vld [tilespmem:s11+$0x78B0];
	v30 =	vor.u32 s18, v3;
	vm7 =	vgt.f32 v33, $0.0e+00;
	vm8 =	vlt.f32 v34, $0.0e+00  }
0xaf: {  	s18 =	sor.u32 $0x30, s17;
	vm9 =	vgt.f32 v34, $0.0e+00;
	v6 =	vsel vm0, v6, v0;
	v8 =	vmulhi.u32 $0xCCCCCCD, v30  }
0xb0: {  	v32 =	vor.u32 s18, v3;
	vm0 =	vmor vm12, vm11;
	vm10 =	vmor vm9, vm8  }
0xb1: {  	vm11 =	vlt.f32 v36, $0.0e+00;
	v4 =	vadd.s32 v1, v4;
	v7 =	vmulhi.u32 $0xCCCCCCD, v32  }
0xb2: {  	s18 =	sor.u32 $0x40, s17;
	v4 =	vsel vm1, v4, v0;
	v8 =	vadd.s32 v1, v8;
	vm1 =	vmor vm5, vm4  }
0xb3: {  	vm13 =	vlt.f32 v5, $0.0e+00;
	vm14 =	vgt.f32 v5, $0.0e+00;
	v5 =	vor.u32 s18, v3  }
0xb4: {  	v8 =	vsel vm0, v8, v0;
	v7 =	vadd.s32 v1, v7;
	s18 =	sor.u32 $0x50, s17;
	vm0 =	vmor vm7, vm6  }
0xb5: {  	[tilespmem:s11+$0x7880] =	vst v6;
	vm15 =	vmor vm14, vm13;
	v5 =	vmulhi.u32 $0xCCCCCCD, v5;
	v35 =	vor.u32 s18, v3;
	s18 =	sor.u32 $0x60, s17  }
0xb6: {  	[tilespmem:s11+$0x7890] =	vst v4;
	s17 =	sor.u32 $0x70, s17;
	v7 =	vsel vm15, v7, v0;
	v11 =	vmulhi.u32 $0xCCCCCCD, v35;
	v37 =	vor.u32 s18, v3  }
0xb7: {  	[tilespmem:s11+$0x78A0] =	vst v8;
	v38 =	vor.u32 s17, v3;
	v5 =	vadd.s32 v1, v5;
	v6 =	vmulhi.u32 $0xCCCCCCD, v37  }
0xb8: {  	[tilespmem:s11+$0x78B0] =	vst v7;
	v39 =	vmulhi.u32 $0xCCCCCCD, v38;
	v5 =	vsel vm1, v5, v0;
	v4 =	vadd.s32 v1, v11  }
0xb9: {  	vm12 =	vgt.f32 v36, $0.0e+00;
	v4 =	vsel vm0, v4, v0;
	[tilespmem:s11+$0x78C0] =	vst v5;
	v5 =	vadd.s32 v1, v6  }
0xba: {  	vm13 =	vmor vm12, vm11;
	s18 =	sadd.s32 $0x19A, s16;
	[tilespmem:s11+$0x78D0] =	vst v4;
	v4 =	vsel vm10, v5, v0;
	v5 =	vadd.s32 v1, v39  }
0xbb: {  	s17 =	sshrl.u32 s18, $0xE;
	[tilespmem:s11+$0x78E0] =	vst v4;
	v4 =	vsel vm13, v5, v0  }
0xbc: {  	s17 =	sand.u32 $0x3, s17;
	[tilespmem:s11+$0x78F0] =	vst v4  }
0xbd: {  	s17 =	smul.u32 $0x50, s17;
	_ =	swait.ge [sflag:s24], $0x2000  }
0xbe: {  	[sflag:s24] =	ssyncset.done $0x0  }
0xbf: {  	s18 =	sadd.s32 $0x7880, s11;
	s17 =	ssub.s32 s8, s17;
	[sflag:s24] =	ssyncadd.s32 $0xFFFFE000  }
0xc0: {  	[spmem:s2] =	stream.indirect.scatter.add.f32 [tilespmem:s29], [sflag:$0x6], $0x40, s18, s28, $0xb8;
	[tilespmem:$0x1F200] =	vst v63  }
0xc1: {  	s17 =	sadd.s32 $0x2, s17;
	v4 =	vld [tilespmem:s11+$0x7900]  }
0xc2: {  	s17 =	sand.u32 $0xFF, s17;
	v5 =	vld [tilespmem:s11+$0x7910]  }
0xc3: {  	s17 =	sshll.u32 s17, $0x7;
	v41 =	vld [tilespmem:s11+$0x7920]  }
0xc4: {  	v40 =	vor.u32 s17, v3;
	v43 =	vld [tilespmem:s11+$0x7940]  }
0xc5: {  	v6 =	vmulhi.u32 $0xCCCCCCD, v40;
	v45 =	vld [tilespmem:s11+$0x7950];
	_ =	sdelay $0x1  }
0xc6: {  	s18 =	sor.u32 $0x10, s17;
	v46 =	vld [tilespmem:s11+$0x7960];
	v6 =	vadd.s32 v1, v6;
	vm14 =	vlt.f32 v4, $0.0e+00  }
0xc7: {  	vm15 =	vgt.f32 v4, $0.0e+00;
	v4 =	vor.u32 s18, v3;
	vm4 =	vlt.f32 v5, $0.0e+00  }
0xc8: {  	vm5 =	vgt.f32 v5, $0.0e+00;
	vm6 =	vlt.f32 v41, $0.0e+00;
	vm7 =	vgt.f32 v41, $0.0e+00  }
0xc9: {  	v48 =	vld [tilespmem:s11+$0x7970];
	vm11 =	vlt.f32 v43, $0.0e+00;
	vm12 =	vgt.f32 v43, $0.0e+00;
	vm13 =	vlt.f32 v45, $0.0e+00  }
0xca: {  	s18 =	sor.u32 $0x20, s17;
	vm0 =	vmor vm15, vm14;
	v4 =	vmulhi.u32 $0xCCCCCCD, v4;
	vm1 =	vmor vm5, vm4  }
0xcb: {  	v5 =	vld [tilespmem:s11+$0x7930];
	v42 =	vor.u32 s18, v3;
	vm14 =	vgt.f32 v45, $0.0e+00;
	vm15 =	vlt.f32 v46, $0.0e+00  }
0xcc: {  	s18 =	sor.u32 $0x30, s17;
	vm4 =	vgt.f32 v46, $0.0e+00;
	v6 =	vsel vm0, v6, v0;
	v8 =	vmulhi.u32 $0xCCCCCCD, v42  }
0xcd: {  	v44 =	vor.u32 s18, v3;
	vm0 =	vmor vm7, vm6;
	vm5 =	vmor vm4, vm15  }
0xce: {  	vm6 =	vlt.f32 v48, $0.0e+00;
	v4 =	vadd.s32 v1, v4;
	v7 =	vmulhi.u32 $0xCCCCCCD, v44  }
0xcf: {  	s18 =	sor.u32 $0x40, s17;
	v4 =	vsel vm1, v4, v0;
	v8 =	vadd.s32 v1, v8;
	vm1 =	vmor vm12, vm11  }
0xd0: {  	vm8 =	vlt.f32 v5, $0.0e+00;
	vm9 =	vgt.f32 v5, $0.0e+00;
	v5 =	vor.u32 s18, v3  }
0xd1: {  	v8 =	vsel vm0, v8, v0;
	v7 =	vadd.s32 v1, v7;
	s18 =	sor.u32 $0x50, s17;
	vm0 =	vmor vm14, vm13  }
0xd2: {  	[tilespmem:s11+$0x7900] =	vst v6;
	vm10 =	vmor vm9, vm8;
	v5 =	vmulhi.u32 $0xCCCCCCD, v5;
	v47 =	vor.u32 s18, v3;
	s18 =	sor.u32 $0x60, s17  }
0xd3: {  	[tilespmem:s11+$0x7910] =	vst v4;
	s17 =	sor.u32 $0x70, s17;
	v7 =	vsel vm10, v7, v0;
	v11 =	vmulhi.u32 $0xCCCCCCD, v47;
	v49 =	vor.u32 s18, v3  }
0xd4: {  	[tilespmem:s11+$0x7920] =	vst v8;
	v50 =	vor.u32 s17, v3;
	v5 =	vadd.s32 v1, v5;
	v6 =	vmulhi.u32 $0xCCCCCCD, v49  }
0xd5: {  	[tilespmem:s11+$0x7930] =	vst v7;
	v51 =	vmulhi.u32 $0xCCCCCCD, v50;
	v5 =	vsel vm1, v5, v0;
	v4 =	vadd.s32 v1, v11  }
0xd6: {  	vm7 =	vgt.f32 v48, $0.0e+00;
	v4 =	vsel vm0, v4, v0;
	[tilespmem:s11+$0x7940] =	vst v5;
	v5 =	vadd.s32 v1, v6  }
0xd7: {  	s16 =	sadd.s32 $0x267, s16;
	vm8 =	vmor vm7, vm6;
	[tilespmem:s11+$0x7950] =	vst v4;
	v4 =	vsel vm5, v5, v0;
	v5 =	vadd.s32 v1, v51  }
0xd8: {  	s16 =	sshrl.u32 s16, $0xE;
	[tilespmem:s11+$0x7960] =	vst v4;
	v4 =	vsel vm8, v5, v0  }
0xd9: {  	s16 =	sand.u32 $0x3, s16;
	[tilespmem:s11+$0x7970] =	vst v4  }
0xda: {  	s16 =	smul.u32 $0x50, s16;
	_ =	swait.ge [sflag:s25], $0x2000  }
0xdb: {  	[sflag:s25] =	ssyncset.done $0x0  }
0xdc: {  	s16 =	ssub.s32 s8, s16;
	s18 =	sadd.s32 $0x7900, s11;
	[sflag:s25] =	ssyncadd.s32 $0xFFFFE000  }
0xdd: {  	[spmem:s2] =	stream.indirect.scatter.add.f32 [tilespmem:s31], [sflag:$0x7], $0x40, s18, s28, $0xb8;
	[tilespmem:$0x1F200] =	vst v63  }
0xde: {  	s16 =	sadd.s32 $0x3, s16;
	v4 =	vld [tilespmem:s11+$0x7980]  }
0xdf: {  	s16 =	sand.u32 $0xFF, s16;
	v5 =	vld [tilespmem:s11+$0x7990]  }
0xe0: {  	s16 =	sshll.u32 s16, $0x7;
	v53 =	vld [tilespmem:s11+$0x79A0]  }
0xe1: {  	v52 =	vor.u32 s16, v3;
	v55 =	vld [tilespmem:s11+$0x79C0]  }
0xe2: {  	v6 =	vmulhi.u32 $0xCCCCCCD, v52;
	v57 =	vld [tilespmem:s11+$0x79D0];
	_ =	sdelay $0x1  }
0xe3: {  	v6 =	vadd.s32 v1, v6;
	s18 =	sor.u32 $0x10, s16;
	v58 =	vld [tilespmem:s11+$0x79E0];
	vm9 =	vlt.f32 v4, $0.0e+00  }
0xe4: {  	vm10 =	vgt.f32 v4, $0.0e+00;
	v4 =	vor.u32 s18, v3;
	vm11 =	vlt.f32 v5, $0.0e+00  }
0xe5: {  	vm12 =	vgt.f32 v5, $0.0e+00;
	vm13 =	vlt.f32 v53, $0.0e+00;
	vm14 =	vgt.f32 v53, $0.0e+00  }
0xe6: {  	v60 =	vld [tilespmem:s11+$0x79F0];
	vm6 =	vlt.f32 v55, $0.0e+00;
	vm7 =	vgt.f32 v55, $0.0e+00;
	vm8 =	vlt.f32 v57, $0.0e+00  }
0xe7: {  	s18 =	sor.u32 $0x20, s16;
	vm0 =	vmor vm10, vm9;
	v4 =	vmulhi.u32 $0xCCCCCCD, v4;
	vm1 =	vmor vm12, vm11  }
0xe8: {  	v5 =	vld [tilespmem:s11+$0x79B0];
	v54 =	vor.u32 s18, v3;
	vm9 =	vgt.f32 v57, $0.0e+00;
	vm10 =	vlt.f32 v58, $0.0e+00  }
0xe9: {  	s18 =	sor.u32 $0x30, s16;
	vm11 =	vgt.f32 v58, $0.0e+00;
	v6 =	vsel vm0, v6, v0;
	v8 =	vmulhi.u32 $0xCCCCCCD, v54  }
0xea: {  	v56 =	vor.u32 s18, v3;
	vm0 =	vmor vm14, vm13;
	vm12 =	vmor vm11, vm10  }
0xeb: {  	vm13 =	vlt.f32 v60, $0.0e+00;
	v4 =	vadd.s32 v1, v4;
	v7 =	vmulhi.u32 $0xCCCCCCD, v56  }
0xec: {  	s18 =	sor.u32 $0x40, s16;
	v4 =	vsel vm1, v4, v0;
	v8 =	vadd.s32 v1, v8;
	vm1 =	vmor vm7, vm6  }
0xed: {  	vm15 =	vlt.f32 v5, $0.0e+00;
	vm4 =	vgt.f32 v5, $0.0e+00;
	v5 =	vor.u32 s18, v3  }
0xee: {  	v8 =	vsel vm0, v8, v0;
	v7 =	vadd.s32 v1, v7;
	s18 =	sor.u32 $0x50, s16;
	vm0 =	vmor vm9, vm8  }
0xef: {  	[tilespmem:s11+$0x7980] =	vst v6;
	vm5 =	vmor vm4, vm15;
	v5 =	vmulhi.u32 $0xCCCCCCD, v5;
	v59 =	vor.u32 s18, v3;
	s18 =	sor.u32 $0x60, s16  }
0xf0: {  	[tilespmem:s11+$0x7990] =	vst v4;
	s16 =	sor.u32 $0x70, s16;
	v7 =	vsel vm5, v7, v0;
	v11 =	vmulhi.u32 $0xCCCCCCD, v59;
	v61 =	vor.u32 s18, v3  }
0xf1: {  	[tilespmem:s11+$0x79A0] =	vst v8;
	v62 =	vor.u32 s16, v3;
	v5 =	vadd.s32 v1, v5;
	v6 =	vmulhi.u32 $0xCCCCCCD, v61  }
0xf2: {  	[tilespmem:s11+$0x79B0] =	vst v7;
	v63 =	vmulhi.u32 $0xCCCCCCD, v62;
	v5 =	vsel vm1, v5, v0;
	v4 =	vadd.s32 v1, v11  }
0xf3: {  	vm14 =	vgt.f32 v60, $0.0e+00;
	v4 =	vsel vm0, v4, v0;
	[tilespmem:s11+$0x79C0] =	vst v5;
	v5 =	vadd.s32 v1, v6  }
0xf4: {  	vm15 =	vmor vm14, vm13;
	v5 =	vsel vm12, v5, v0;
	[tilespmem:s11+$0x79D0] =	vst v4;
	v4 =	vadd.s32 v1, v63  }
0xf5: {  	[tilespmem:s11+$0x79E0] =	vst v5;
	v4 =	vsel vm15, v4, v0  }
0xf6: {  	[tilespmem:s11+$0x79F0] =	vst v4  }
0xf7: {  	_ =	swait.ge [sflag:s26], $0x2000  }
0xf8: {  	p0 =	seq.s32 s10, $0x1D800;
	[sflag:s26] =	ssyncset.done $0x0  }
.Ltmp3:
0xf9: {  	s18 =	sadd.s32 $0x7980, s11;
	[sflag:s26] =	ssyncadd.s32 $0xFFFFE000;
	(pc) =	sbr.rel @p0 .LBB2_6-.Ltmp3, $4  }
0xfa: {  	[spmem:s2] =	stream.indirect.scatter.add.f32 [tilespmem:s0], [sflag:$0x8], $0x40, s18, s28, $0xb8;
	[tilespmem:$0x1F200] =	vst v63  }
0xfb: {  	_ =	swait.ge [sflag:s30], $0x2000  }
0xfc: {  	[sflag:s30] =	ssyncset.done $0x0  }
0xfd: {  	[sflag:s30] =	ssyncadd.s32 $0xFFFFE000  }
0xfe: {  	s16 =	sadd.s32 $0x200, s11  }
0xff: {  	[tilespmem:s22], [sflag:$0x1] =	stream.indirect.gather [hbm4b:s4+s28], $0x40, s16, s28, $0xb8;
	[tilespmem:$0x1F200] =	vst v63  }
0x100: {  	_ =	swait.ge [sflag:s1], $0x2000  }
0x101: {  	[sflag:s1] =	ssyncset.done $0x0  }
0x102: {  	s18 =	sadd.s32 $0x280, s11;
	[sflag:s1] =	ssyncadd.s32 $0xFFFFE000  }
0x103: {  	[tilespmem:s29], [sflag:$0x2] =	stream.indirect.gather [hbm4b:s4+s28], $0x40, s18, s28, $0xb8;
	[tilespmem:$0x1F200] =	vst v63  }
0x104: {  	_ =	swait.ge [sflag:s5], $0x2000  }
0x105: {  	[sflag:s5] =	ssyncset.done $0x0  }
0x106: {  	s17 =	sadd.s32 $0x300, s11;
	[sflag:s5] =	ssyncadd.s32 $0xFFFFE000  }
0x107: {  	[tilespmem:s31], [sflag:$0x3] =	stream.indirect.gather [hbm4b:s4+s28], $0x40, s17, s28, $0xb8;
	[tilespmem:$0x1F200] =	vst v63  }
.Ltmp4:
0x108: {  	_ = 	snop;
	(pc) =	sbr.rel .LBB2_4-.Ltmp4, $4  }
0x109: {  	_ =	swait.ge [sflag:s6], $0x2000  }
0x10a: {  	s10 =	sadd.s32 $0x800, s10;
	[sflag:s6] =	ssyncset.done $0x0  }
0x10b: {  	s8 =	sadd.s32 $0x4, s8;
	s18 =	sadd.s32 $0x380, s11;
	[sflag:s6] =	ssyncadd.s32 $0xFFFFE000  }
0x10c: {  	[tilespmem:s0], [sflag:$0x4] =	stream.indirect.gather [hbm4b:s4+s28], $0x40, s18, s28, $0xb8;
	[tilespmem:$0x1F200] =	vst v63  }
.LBB2_7:
0x10d: {  	_ =	sfence.sel $0x180000  }
0x10e: {  	[bflag:$0x0] =	sbarrier.arrive $0xFFFF  }
0x10f: {  	_ =	strace $0x90000047  }
0x110: {  	s0 =	stileid.u32;
	[bflag:$0x2] =	sbarrier.arrive $0xFFFF  }
0x111: {  	p0 =	sne.s32 s0, $0x0;
	s0 =	rddreg [dreg:$0x9]  }
0x112: {  	s0 =	sadd.s32 @!p0 $0x100000, s0  }
0x113: {  	[sflag:s0] =	ssyncadd.tile.s32 @!p0 $0x1;
	_ =	shalt  }
.Lfunc_end2:
_tile_overlayer_lowered:
.L_overlay_start_2:
0x114: {  	(tag) =	ssettag $0x2  }
0x115: {  	s0 =	rddreg [dreg:$0x0];
	s2 =	stileid.u32  }
0x116: {  	s1 =	rddreg [dreg:$0x1];
	p0 =	sne.s32 s2, $0x0  }
0x117: {  	s3 =	rddreg [dreg:$0x2];
	[bflag:$0x3] =	sbarrier.arrive $0xFFFF;
	s2 =	simm.s32 @!p0 $0x1C09  }
0x118: {  	[timem:s3], [sflag:s2] =	dma.local @!p0 [hbm:s0], s1  }
0x119: {  	s0 =	simm.s32 @!p0 $0x9  }
0x11a: {  	_ =	swait.ge @!p0 [sflag:s0], s1  }
0x11b: {  	s1 =	ssub.s32 @!p0 $0x0, s1;
	[sflag:s0] =	ssyncset.done @!p0 $0x0  }
0x11c: {  	[sflag:s0] =	ssyncadd.s32 @!p0 s1  }
0x11d: {  	[bflag:$0x3] =	sbarrier.arrive $0xFFFF  }
0x11e: {  	_ =	shalt  }

</sc_bundles>
